<compile_context>
chip_gen: v7x
topology: tpu7x:2x2x1
jax: 0.10.2.dev20260603
libtpu: 0.0.44.dev20260713+nightly
codegen_flags: <defaults>
</compile_context>

<pallas_src>
import functools

import jax
import jax.numpy as jnp
from jax import lax
from jax.experimental import pallas as pl
from jax.experimental.pallas import tpu as pltpu
from jax.experimental.pallas import tpu_sc as plsc

VOCAB = 1000000
D = 64
DP = 128
SEQ = 200
BATCH = 4096
N = BATCH * SEQ

NC, NS = 2, 16
NW = NC * NS
PER_W = N // NW
SEQ_PER_CHUNK = 4
CHUNK = SEQ * SEQ_PER_CHUNK
NCHUNK = PER_W // CHUNK
GATHER_W = 100
NGATHER = CHUNK // GATHER_W


def _make_kernel():
    mesh = plsc.VectorSubcoreMesh(core_axis_name="c", subcore_axis_name="s")

    @functools.partial(
        pl.kernel,
        mesh=mesh,
        out_type=jax.ShapeDtypeStruct((N, DP), jnp.float32),
        compiler_params=pltpu.CompilerParams(use_tc_tiling_on_sc=False),
        scratch_types=[
            pltpu.VMEM((NGATHER, GATHER_W), jnp.int32),
            pltpu.VMEM((CHUNK, D), jnp.float32),
            pltpu.VMEM((SEQ, D), jnp.float32),
            pltpu.SemaphoreType.DMA,
        ],
    )
    def emb_kernel(tok_hbm, xf_hbm, pos_hbm, out_hbm, idx_v, rows_v, pos_v, sem):
        wid = lax.axis_index("s") * NC + lax.axis_index("c")
        base = wid * PER_W

        pltpu.sync_copy(pos_hbm, pos_v)

        def chunk_body(g, carry):
            start = base + g * CHUNK
            row0 = pl.multiple_of(start // GATHER_W, NGATHER)
            pltpu.sync_copy(xf_hbm.at[pl.ds(row0, NGATHER)], idx_v)
            for j in range(NGATHER):
                pltpu.async_copy(
                    tok_hbm.at[idx_v.at[j]],
                    rows_v.at[pl.ds(j * GATHER_W, GATHER_W)],
                    sem,
                )
            for j in range(NGATHER):
                pltpu.make_async_copy(
                    tok_hbm.at[idx_v.at[j]],
                    rows_v.at[pl.ds(j * GATHER_W, GATHER_W)],
                    sem,
                ).wait()

            def pos_body(s, c):
                for j in range(D // 16):
                    pv = pos_v[s, pl.ds(16 * j, 16)]
                    for kk in range(SEQ_PER_CHUNK):
                        plsc.addupdate(
                            rows_v.at[kk * SEQ + s, pl.ds(16 * j, 16)], pv
                        )
                return c

            lax.fori_loop(0, SEQ, pos_body, 0)

            pltpu.sync_copy(
                rows_v,
                out_hbm.at[pl.ds(start, CHUNK), pl.ds(0, D)],
            )
            return carry

        lax.fori_loop(0, NCHUNK, chunk_body, 0)

    return emb_kernel


_emb_kernel = _make_kernel()


@jax.jit
def kernel(x, token_table, pos_table):
    tok128 = jnp.pad(token_table, ((0, 0), (0, DP - D)))
    tok2 = tok128.reshape(2 * VOCAB, D)
    xf = (x.reshape(N // GATHER_W, GATHER_W) * 2).astype(jnp.int32)
    out = _emb_kernel(tok2, xf, pos_table)
    return out.reshape(BATCH, SEQ, DP)[:, :, :D]

# --- scband reference (transcript-rebuilt; emitter-appended) ---
"""Pipeline reference for scband-embedding-with-positional-encoding-24893630448073 (READ-ONLY COPY).

The authoritative reference and input builder live on the scoring server;
editing this copy changes nothing except your own understanding.
"""

import jax, jax.numpy as jnp
import numpy as np

VOCAB = 1000000
D_MODEL = 64
MAX_SEQ = 200
BATCH = 4096
SEQ = 200

def setup_inputs(seed: int = 0) -> dict:
    key = jax.random.key(seed)
    k1, k2, k3 = jax.random.split(key, 3)
    x = jax.random.randint(k1, (BATCH, SEQ), 0, VOCAB, dtype=jnp.int64 if jax.config.jax_enable_x64 else jnp.int32)
    token_table = jax.random.normal(k2, (VOCAB, D_MODEL), dtype=jnp.float32)
    pos_table = jax.random.normal(k3, (MAX_SEQ, D_MODEL), dtype=jnp.float32)
    return {"x": x, "token_table": token_table, "pos_table": pos_table}

def reference(x, token_table, pos_table):
    seq_len = x.shape[1]
    pos = jnp.arange(seq_len)[None, :]  # [1, seq_len]
    pos_emb = jnp.take(pos_table, pos, axis=0)  # [1, seq_len, d_model]
    token_emb = jnp.take(token_table, x, axis=0)  # [B, seq_len, d_model]
    # dropout p=0.0 -> identity
    return token_emb + pos_emb

if __name__ == "__main__":
    import jax
    _d = setup_inputs()
    print(jax.jit(kernel)(*tuple(_d.values())))

</pallas_src>

<mosaic_0001>
#map = affine_map<(d0, d1) -> (0, 0)>
module attributes {stable_mosaic.version = 14 : i64} {
  func.func @emb_kernel(%arg0: i32, %arg1: i32, %arg2: memref<2000000x64xf32, #tpu.memory_space<hbm>>, %arg3: memref<8192x100xi32, #tpu.memory_space<hbm>>, %arg4: memref<200x64xf32, #tpu.memory_space<hbm>>, %arg5: memref<819200x128xf32, #tpu.memory_space<hbm>>, %arg6: memref<8x100xi32, #tpu.memory_space<vmem>>, %arg7: memref<800x64xf32, #tpu.memory_space<vmem>>, %arg8: memref<200x64xf32, #tpu.memory_space<vmem>>, %arg9: memref<!tpu.dma_semaphore, #tpu.memory_space<semaphore_mem>>) attributes {dimension_semantics = [#tpu.dimension_semantics<core_parallel>, #tpu.dimension_semantics<subcore_parallel>], iteration_bounds = array<i64: 2, 16>, scalar_prefetch = 0 : i64, scratch_operands = 4 : i64, tpu.core_type = #tpu.core_type<sc_vector_subcore>, window_params = [{transform_indices = #map}, {transform_indices = #map}, {transform_indices = #map}, {transform_indices = #map}]} {
    %mul3A = arith.constant 2 : i32
    %mul3A_0 = arith.muli %arg1, %mul3A : i32
    %add3A = arith.addi %mul3A_0, %arg0 : i32
    %mul3A_1 = arith.constant 25600 : i32
    %mul3A_2 = arith.muli %add3A, %mul3A_1 : i32
    "tpu.region"() ({
      %run_scoped3A = tpu.sem_alloc : memref<!tpu.dma_semaphore, #tpu.memory_space<semaphore_mem>>
      tpu.enqueue_dma source(%arg4 : memref<200x64xf32, #tpu.memory_space<hbm>>) target(%arg8 : memref<200x64xf32, #tpu.memory_space<vmem>>) target_semaphore(%run_scoped3A : memref<!tpu.dma_semaphore, #tpu.memory_space<semaphore_mem>>)
      tpu.wait_dma2 semaphore(%run_scoped3A : memref<!tpu.dma_semaphore, #tpu.memory_space<semaphore_mem>>) src(%arg4 : memref<200x64xf32, #tpu.memory_space<hbm>>) dst(%arg8 : memref<200x64xf32, #tpu.memory_space<vmem>>)
      tpu.yield
    }) : () -> ()
    %scan3A = arith.constant 0 : i32
    %scan3A_3 = arith.constant 0 : i32
    %scan3A_4 = arith.constant 32 : i32
    %scan3A_5 = arith.addi %scan3A_3, %scan3A_4 : i32
    %scan3A_6 = arith.constant 1 : i32
    scf.for %scan3A_8 = %scan3A_3 to %scan3A_5 step %scan3A_6  : i32 {
      %mul3A_9 = arith.constant 800 : i32
      %mul3A_10 = arith.muli %scan3A_8, %mul3A_9 : i32
      %add3A_11 = arith.addi %mul3A_2, %mul3A_10 : i32
      %jit3A = arith.constant 100 : i32
      %div3A = arith.divsi %add3A_11, %jit3A : i32
      %sign3A = arith.constant 0 : i32
      %sign3A_12 = arith.cmpi sgt, %add3A_11, %sign3A : i32
      %sign3A_13 = arith.extui %sign3A_12 : i1 to i32
      %sign3A_14 = arith.constant 0 : i32
      %sign3A_15 = arith.cmpi slt, %add3A_11, %sign3A_14 : i32
      %sign3A_16 = arith.extui %sign3A_15 : i1 to i32
      %sign3A_17 = arith.subi %sign3A_13, %sign3A_16 : i32
      %sign3A_18 = arith.constant 0 : i32
      %sign3A_19 = arith.cmpi sgt, %jit3A, %sign3A_18 : i32
      %sign3A_20 = arith.extui %sign3A_19 : i1 to i32
      %sign3A_21 = arith.constant 0 : i32
      %sign3A_22 = arith.cmpi slt, %jit3A, %sign3A_21 : i32
      %sign3A_23 = arith.extui %sign3A_22 : i1 to i32
      %sign3A_24 = arith.subi %sign3A_20, %sign3A_23 : i32
      %ne3A = arith.cmpi ne, %sign3A_17, %sign3A_24 : i32
      %rem3A = arith.remsi %add3A_11, %jit3A : i32
      %ne3A_25 = arith.constant 0 : i32
      %ne3A_26 = arith.cmpi ne, %rem3A, %ne3A_25 : i32
      %and3A = arith.andi %ne3A, %ne3A_26 : i1
      %sub3A = arith.constant 1 : i32
      %sub3A_27 = arith.subi %div3A, %sub3A : i32
      %select_n3A = arith.select %and3A, %sub3A_27, %div3A : i32
      %multiple_of3A = tpu.assume_multiple %select_n3A, 8 : i32
      "tpu.region"() ({
        %run_scoped3A = tpu.sem_alloc : memref<!tpu.dma_semaphore, #tpu.memory_space<semaphore_mem>>
        %dma_start3A_192 = arith.constant 0 : i32
        %dma_start3A_193 = tpu.memref_slice %arg3[%multiple_of3A, %dma_start3A_192] : memref<8192x100xi32, #tpu.memory_space<hbm>> -> memref<8x100xi32, #tpu.memory_space<hbm>>
        %dma_start3A_194 = arith.constant 0 : i32
        %dma_start3A_195 = tpu.memref_slice %arg3[%multiple_of3A, %dma_start3A_194] : memref<8192x100xi32, #tpu.memory_space<hbm>> -> memref<8x100xi32, #tpu.memory_space<hbm>>
        tpu.enqueue_dma source(%dma_start3A_195 : memref<8x100xi32, #tpu.memory_space<hbm>>) target(%arg6 : memref<8x100xi32, #tpu.memory_space<vmem>>) target_semaphore(%run_scoped3A : memref<!tpu.dma_semaphore, #tpu.memory_space<semaphore_mem>>)
        %dma_wait3A_196 = arith.constant 0 : i32
        %dma_wait3A_197 = tpu.memref_slice %arg3[%multiple_of3A, %dma_wait3A_196] : memref<8192x100xi32, #tpu.memory_space<hbm>> -> memref<8x100xi32, #tpu.memory_space<hbm>>
        %dma_wait3A_198 = arith.constant 0 : i32
        %dma_wait3A_199 = tpu.memref_slice %arg3[%multiple_of3A, %dma_wait3A_198] : memref<8192x100xi32, #tpu.memory_space<hbm>> -> memref<8x100xi32, #tpu.memory_space<hbm>>
        tpu.wait_dma2 semaphore(%run_scoped3A : memref<!tpu.dma_semaphore, #tpu.memory_space<semaphore_mem>>) src(%dma_wait3A_199 : memref<8x100xi32, #tpu.memory_space<hbm>>) dst(%arg6 : memref<8x100xi32, #tpu.memory_space<vmem>>)
        tpu.yield
      }) : () -> ()
      %dma_start3A = arith.constant 0 : i32
      %dma_start3A_28 = arith.constant 0 : i32
      %dma_start3A_29 = arith.constant 0 : i32
      %dma_start3A_30 = tpu.memref_slice %arg7[%dma_start3A_28, %dma_start3A_29] : memref<800x64xf32, #tpu.memory_space<vmem>> -> memref<100x64xf32, #tpu.memory_space<vmem>>
      %dma_start3A_31 = arith.constant 0 : i32
      %dma_start3A_32 = tpu.memref_slice %arg6[%dma_start3A, %dma_start3A_31] : memref<8x100xi32, #tpu.memory_space<vmem>> -> memref<1x100xi32, #tpu.memory_space<vmem>>
      %dma_start3A_33 = tpu.memref_squeeze %dma_start3A_32 : memref<1x100xi32, #tpu.memory_space<vmem>> -> memref<100xi32, #tpu.memory_space<vmem>>
      %dma_start3A_34 = arith.constant 0 : i32
      %dma_start3A_35 = arith.constant 0 : i32
      %dma_start3A_36 = tpu.memref_slice %arg2[%dma_start3A_34, %dma_start3A_35] : memref<2000000x64xf32, #tpu.memory_space<hbm>> -> memref<2000000x64xf32, #tpu.memory_space<hbm>>
      tpu.enqueue_indirect_dma source(%dma_start3A_36 : memref<2000000x64xf32, #tpu.memory_space<hbm>>) target(%dma_start3A_30 : memref<100x64xf32, #tpu.memory_space<vmem>>) offsets(%dma_start3A_33 : memref<100xi32, #tpu.memory_space<vmem>>) semaphore(%arg9 : memref<!tpu.dma_semaphore, #tpu.memory_space<semaphore_mem>>)
      %dma_start3A_37 = arith.constant 1 : i32
      %dma_start3A_38 = arith.constant 100 : i32
      %dma_start3A_39 = arith.constant 0 : i32
      %dma_start3A_40 = tpu.memref_slice %arg7[%dma_start3A_38, %dma_start3A_39] : memref<800x64xf32, #tpu.memory_space<vmem>> -> memref<100x64xf32, #tpu.memory_space<vmem>>
      %dma_start3A_41 = arith.constant 0 : i32
      %dma_start3A_42 = tpu.memref_slice %arg6[%dma_start3A_37, %dma_start3A_41] : memref<8x100xi32, #tpu.memory_space<vmem>> -> memref<1x100xi32, #tpu.memory_space<vmem>>
      %dma_start3A_43 = tpu.memref_squeeze %dma_start3A_42 : memref<1x100xi32, #tpu.memory_space<vmem>> -> memref<100xi32, #tpu.memory_space<vmem>>
      %dma_start3A_44 = arith.constant 0 : i32
      %dma_start3A_45 = arith.constant 0 : i32
      %dma_start3A_46 = tpu.memref_slice %arg2[%dma_start3A_44, %dma_start3A_45] : memref<2000000x64xf32, #tpu.memory_space<hbm>> -> memref<2000000x64xf32, #tpu.memory_space<hbm>>
      tpu.enqueue_indirect_dma source(%dma_start3A_46 : memref<2000000x64xf32, #tpu.memory_space<hbm>>) target(%dma_start3A_40 : memref<100x64xf32, #tpu.memory_space<vmem>>) offsets(%dma_start3A_43 : memref<100xi32, #tpu.memory_space<vmem>>) semaphore(%arg9 : memref<!tpu.dma_semaphore, #tpu.memory_space<semaphore_mem>>)
      %dma_start3A_47 = arith.constant 2 : i32
      %dma_start3A_48 = arith.constant 200 : i32
      %dma_start3A_49 = arith.constant 0 : i32
      %dma_start3A_50 = tpu.memref_slice %arg7[%dma_start3A_48, %dma_start3A_49] : memref<800x64xf32, #tpu.memory_space<vmem>> -> memref<100x64xf32, #tpu.memory_space<vmem>>
      %dma_start3A_51 = arith.constant 0 : i32
      %dma_start3A_52 = tpu.memref_slice %arg6[%dma_start3A_47, %dma_start3A_51] : memref<8x100xi32, #tpu.memory_space<vmem>> -> memref<1x100xi32, #tpu.memory_space<vmem>>
      %dma_start3A_53 = tpu.memref_squeeze %dma_start3A_52 : memref<1x100xi32, #tpu.memory_space<vmem>> -> memref<100xi32, #tpu.memory_space<vmem>>
      %dma_start3A_54 = arith.constant 0 : i32
      %dma_start3A_55 = arith.constant 0 : i32
      %dma_start3A_56 = tpu.memref_slice %arg2[%dma_start3A_54, %dma_start3A_55] : memref<2000000x64xf32, #tpu.memory_space<hbm>> -> memref<2000000x64xf32, #tpu.memory_space<hbm>>
      tpu.enqueue_indirect_dma source(%dma_start3A_56 : memref<2000000x64xf32, #tpu.memory_space<hbm>>) target(%dma_start3A_50 : memref<100x64xf32, #tpu.memory_space<vmem>>) offsets(%dma_start3A_53 : memref<100xi32, #tpu.memory_space<vmem>>) semaphore(%arg9 : memref<!tpu.dma_semaphore, #tpu.memory_space<semaphore_mem>>)
      %dma_start3A_57 = arith.constant 3 : i32
      %dma_start3A_58 = arith.constant 300 : i32
      %dma_start3A_59 = arith.constant 0 : i32
      %dma_start3A_60 = tpu.memref_slice %arg7[%dma_start3A_58, %dma_start3A_59] : memref<800x64xf32, #tpu.memory_space<vmem>> -> memref<100x64xf32, #tpu.memory_space<vmem>>
      %dma_start3A_61 = arith.constant 0 : i32
      %dma_start3A_62 = tpu.memref_slice %arg6[%dma_start3A_57, %dma_start3A_61] : memref<8x100xi32, #tpu.memory_space<vmem>> -> memref<1x100xi32, #tpu.memory_space<vmem>>
      %dma_start3A_63 = tpu.memref_squeeze %dma_start3A_62 : memref<1x100xi32, #tpu.memory_space<vmem>> -> memref<100xi32, #tpu.memory_space<vmem>>
      %dma_start3A_64 = arith.constant 0 : i32
      %dma_start3A_65 = arith.constant 0 : i32
      %dma_start3A_66 = tpu.memref_slice %arg2[%dma_start3A_64, %dma_start3A_65] : memref<2000000x64xf32, #tpu.memory_space<hbm>> -> memref<2000000x64xf32, #tpu.memory_space<hbm>>
      tpu.enqueue_indirect_dma source(%dma_start3A_66 : memref<2000000x64xf32, #tpu.memory_space<hbm>>) target(%dma_start3A_60 : memref<100x64xf32, #tpu.memory_space<vmem>>) offsets(%dma_start3A_63 : memref<100xi32, #tpu.memory_space<vmem>>) semaphore(%arg9 : memref<!tpu.dma_semaphore, #tpu.memory_space<semaphore_mem>>)
      %dma_start3A_67 = arith.constant 4 : i32
      %dma_start3A_68 = arith.constant 400 : i32
      %dma_start3A_69 = arith.constant 0 : i32
      %dma_start3A_70 = tpu.memref_slice %arg7[%dma_start3A_68, %dma_start3A_69] : memref<800x64xf32, #tpu.memory_space<vmem>> -> memref<100x64xf32, #tpu.memory_space<vmem>>
      %dma_start3A_71 = arith.constant 0 : i32
      %dma_start3A_72 = tpu.memref_slice %arg6[%dma_start3A_67, %dma_start3A_71] : memref<8x100xi32, #tpu.memory_space<vmem>> -> memref<1x100xi32, #tpu.memory_space<vmem>>
      %dma_start3A_73 = tpu.memref_squeeze %dma_start3A_72 : memref<1x100xi32, #tpu.memory_space<vmem>> -> memref<100xi32, #tpu.memory_space<vmem>>
      %dma_start3A_74 = arith.constant 0 : i32
      %dma_start3A_75 = arith.constant 0 : i32
      %dma_start3A_76 = tpu.memref_slice %arg2[%dma_start3A_74, %dma_start3A_75] : memref<2000000x64xf32, #tpu.memory_space<hbm>> -> memref<2000000x64xf32, #tpu.memory_space<hbm>>
      tpu.enqueue_indirect_dma source(%dma_start3A_76 : memref<2000000x64xf32, #tpu.memory_space<hbm>>) target(%dma_start3A_70 : memref<100x64xf32, #tpu.memory_space<vmem>>) offsets(%dma_start3A_73 : memref<100xi32, #tpu.memory_space<vmem>>) semaphore(%arg9 : memref<!tpu.dma_semaphore, #tpu.memory_space<semaphore_mem>>)
      %dma_start3A_77 = arith.constant 5 : i32
      %dma_start3A_78 = arith.constant 500 : i32
      %dma_start3A_79 = arith.constant 0 : i32
      %dma_start3A_80 = tpu.memref_slice %arg7[%dma_start3A_78, %dma_start3A_79] : memref<800x64xf32, #tpu.memory_space<vmem>> -> memref<100x64xf32, #tpu.memory_space<vmem>>
      %dma_start3A_81 = arith.constant 0 : i32
      %dma_start3A_82 = tpu.memref_slice %arg6[%dma_start3A_77, %dma_start3A_81] : memref<8x100xi32, #tpu.memory_space<vmem>> -> memref<1x100xi32, #tpu.memory_space<vmem>>
      %dma_start3A_83 = tpu.memref_squeeze %dma_start3A_82 : memref<1x100xi32, #tpu.memory_space<vmem>> -> memref<100xi32, #tpu.memory_space<vmem>>
      %dma_start3A_84 = arith.constant 0 : i32
      %dma_start3A_85 = arith.constant 0 : i32
      %dma_start3A_86 = tpu.memref_slice %arg2[%dma_start3A_84, %dma_start3A_85] : memref<2000000x64xf32, #tpu.memory_space<hbm>> -> memref<2000000x64xf32, #tpu.memory_space<hbm>>
      tpu.enqueue_indirect_dma source(%dma_start3A_86 : memref<2000000x64xf32, #tpu.memory_space<hbm>>) target(%dma_start3A_80 : memref<100x64xf32, #tpu.memory_space<vmem>>) offsets(%dma_start3A_83 : memref<100xi32, #tpu.memory_space<vmem>>) semaphore(%arg9 : memref<!tpu.dma_semaphore, #tpu.memory_space<semaphore_mem>>)
      %dma_start3A_87 = arith.constant 6 : i32
      %dma_start3A_88 = arith.constant 600 : i32
      %dma_start3A_89 = arith.constant 0 : i32
      %dma_start3A_90 = tpu.memref_slice %arg7[%dma_start3A_88, %dma_start3A_89] : memref<800x64xf32, #tpu.memory_space<vmem>> -> memref<100x64xf32, #tpu.memory_space<vmem>>
      %dma_start3A_91 = arith.constant 0 : i32
      %dma_start3A_92 = tpu.memref_slice %arg6[%dma_start3A_87, %dma_start3A_91] : memref<8x100xi32, #tpu.memory_space<vmem>> -> memref<1x100xi32, #tpu.memory_space<vmem>>
      %dma_start3A_93 = tpu.memref_squeeze %dma_start3A_92 : memref<1x100xi32, #tpu.memory_space<vmem>> -> memref<100xi32, #tpu.memory_space<vmem>>
      %dma_start3A_94 = arith.constant 0 : i32
      %dma_start3A_95 = arith.constant 0 : i32
      %dma_start3A_96 = tpu.memref_slice %arg2[%dma_start3A_94, %dma_start3A_95] : memref<2000000x64xf32, #tpu.memory_space<hbm>> -> memref<2000000x64xf32, #tpu.memory_space<hbm>>
      tpu.enqueue_indirect_dma source(%dma_start3A_96 : memref<2000000x64xf32, #tpu.memory_space<hbm>>) target(%dma_start3A_90 : memref<100x64xf32, #tpu.memory_space<vmem>>) offsets(%dma_start3A_93 : memref<100xi32, #tpu.memory_space<vmem>>) semaphore(%arg9 : memref<!tpu.dma_semaphore, #tpu.memory_space<semaphore_mem>>)
      %dma_start3A_97 = arith.constant 7 : i32
      %dma_start3A_98 = arith.constant 700 : i32
      %dma_start3A_99 = arith.constant 0 : i32
      %dma_start3A_100 = tpu.memref_slice %arg7[%dma_start3A_98, %dma_start3A_99] : memref<800x64xf32, #tpu.memory_space<vmem>> -> memref<100x64xf32, #tpu.memory_space<vmem>>
      %dma_start3A_101 = arith.constant 0 : i32
      %dma_start3A_102 = tpu.memref_slice %arg6[%dma_start3A_97, %dma_start3A_101] : memref<8x100xi32, #tpu.memory_space<vmem>> -> memref<1x100xi32, #tpu.memory_space<vmem>>
      %dma_start3A_103 = tpu.memref_squeeze %dma_start3A_102 : memref<1x100xi32, #tpu.memory_space<vmem>> -> memref<100xi32, #tpu.memory_space<vmem>>
      %dma_start3A_104 = arith.constant 0 : i32
      %dma_start3A_105 = arith.constant 0 : i32
      %dma_start3A_106 = tpu.memref_slice %arg2[%dma_start3A_104, %dma_start3A_105] : memref<2000000x64xf32, #tpu.memory_space<hbm>> -> memref<2000000x64xf32, #tpu.memory_space<hbm>>
      tpu.enqueue_indirect_dma source(%dma_start3A_106 : memref<2000000x64xf32, #tpu.memory_space<hbm>>) target(%dma_start3A_100 : memref<100x64xf32, #tpu.memory_space<vmem>>) offsets(%dma_start3A_103 : memref<100xi32, #tpu.memory_space<vmem>>) semaphore(%arg9 : memref<!tpu.dma_semaphore, #tpu.memory_space<semaphore_mem>>)
      %dma_wait3A = arith.constant 0 : i32
      %dma_wait3A_107 = arith.constant 0 : i32
      %dma_wait3A_108 = arith.constant 0 : i32
      %dma_wait3A_109 = tpu.memref_slice %arg7[%dma_wait3A_107, %dma_wait3A_108] : memref<800x64xf32, #tpu.memory_space<vmem>> -> memref<100x64xf32, #tpu.memory_space<vmem>>
      %dma_wait3A_110 = arith.constant 0 : i32
      %dma_wait3A_111 = tpu.memref_slice %arg6[%dma_wait3A, %dma_wait3A_110] : memref<8x100xi32, #tpu.memory_space<vmem>> -> memref<1x100xi32, #tpu.memory_space<vmem>>
      %dma_wait3A_112 = tpu.memref_squeeze %dma_wait3A_111 : memref<1x100xi32, #tpu.memory_space<vmem>> -> memref<100xi32, #tpu.memory_space<vmem>>
      %dma_wait3A_113 = arith.constant 0 : i32
      %dma_wait3A_114 = arith.constant 0 : i32
      %dma_wait3A_115 = tpu.memref_slice %arg2[%dma_wait3A_113, %dma_wait3A_114] : memref<2000000x64xf32, #tpu.memory_space<hbm>> -> memref<2000000x64xf32, #tpu.memory_space<hbm>>
      tpu.wait_indirect_dma semaphore(%arg9 : memref<!tpu.dma_semaphore, #tpu.memory_space<semaphore_mem>>) src(%dma_wait3A_115 : memref<2000000x64xf32, #tpu.memory_space<hbm>>) dst(%dma_wait3A_109 : memref<100x64xf32, #tpu.memory_space<vmem>>)
      %dma_wait3A_116 = arith.constant 1 : i32
      %dma_wait3A_117 = arith.constant 100 : i32
      %dma_wait3A_118 = arith.constant 0 : i32
      %dma_wait3A_119 = tpu.memref_slice %arg7[%dma_wait3A_117, %dma_wait3A_118] : memref<800x64xf32, #tpu.memory_space<vmem>> -> memref<100x64xf32, #tpu.memory_space<vmem>>
      %dma_wait3A_120 = arith.constant 0 : i32
      %dma_wait3A_121 = tpu.memref_slice %arg6[%dma_wait3A_116, %dma_wait3A_120] : memref<8x100xi32, #tpu.memory_space<vmem>> -> memref<1x100xi32, #tpu.memory_space<vmem>>
      %dma_wait3A_122 = tpu.memref_squeeze %dma_wait3A_121 : memref<1x100xi32, #tpu.memory_space<vmem>> -> memref<100xi32, #tpu.memory_space<vmem>>
      %dma_wait3A_123 = arith.constant 0 : i32
      %dma_wait3A_124 = arith.constant 0 : i32
      %dma_wait3A_125 = tpu.memref_slice %arg2[%dma_wait3A_123, %dma_wait3A_124] : memref<2000000x64xf32, #tpu.memory_space<hbm>> -> memref<2000000x64xf32, #tpu.memory_space<hbm>>
      tpu.wait_indirect_dma semaphore(%arg9 : memref<!tpu.dma_semaphore, #tpu.memory_space<semaphore_mem>>) src(%dma_wait3A_125 : memref<2000000x64xf32, #tpu.memory_space<hbm>>) dst(%dma_wait3A_119 : memref<100x64xf32, #tpu.memory_space<vmem>>)
      %dma_wait3A_126 = arith.constant 2 : i32
      %dma_wait3A_127 = arith.constant 200 : i32
      %dma_wait3A_128 = arith.constant 0 : i32
      %dma_wait3A_129 = tpu.memref_slice %arg7[%dma_wait3A_127, %dma_wait3A_128] : memref<800x64xf32, #tpu.memory_space<vmem>> -> memref<100x64xf32, #tpu.memory_space<vmem>>
      %dma_wait3A_130 = arith.constant 0 : i32
      %dma_wait3A_131 = tpu.memref_slice %arg6[%dma_wait3A_126, %dma_wait3A_130] : memref<8x100xi32, #tpu.memory_space<vmem>> -> memref<1x100xi32, #tpu.memory_space<vmem>>
      %dma_wait3A_132 = tpu.memref_squeeze %dma_wait3A_131 : memref<1x100xi32, #tpu.memory_space<vmem>> -> memref<100xi32, #tpu.memory_space<vmem>>
      %dma_wait3A_133 = arith.constant 0 : i32
      %dma_wait3A_134 = arith.constant 0 : i32
      %dma_wait3A_135 = tpu.memref_slice %arg2[%dma_wait3A_133, %dma_wait3A_134] : memref<2000000x64xf32, #tpu.memory_space<hbm>> -> memref<2000000x64xf32, #tpu.memory_space<hbm>>
      tpu.wait_indirect_dma semaphore(%arg9 : memref<!tpu.dma_semaphore, #tpu.memory_space<semaphore_mem>>) src(%dma_wait3A_135 : memref<2000000x64xf32, #tpu.memory_space<hbm>>) dst(%dma_wait3A_129 : memref<100x64xf32, #tpu.memory_space<vmem>>)
      %dma_wait3A_136 = arith.constant 3 : i32
      %dma_wait3A_137 = arith.constant 300 : i32
      %dma_wait3A_138 = arith.constant 0 : i32
      %dma_wait3A_139 = tpu.memref_slice %arg7[%dma_wait3A_137, %dma_wait3A_138] : memref<800x64xf32, #tpu.memory_space<vmem>> -> memref<100x64xf32, #tpu.memory_space<vmem>>
      %dma_wait3A_140 = arith.constant 0 : i32
      %dma_wait3A_141 = tpu.memref_slice %arg6[%dma_wait3A_136, %dma_wait3A_140] : memref<8x100xi32, #tpu.memory_space<vmem>> -> memref<1x100xi32, #tpu.memory_space<vmem>>
      %dma_wait3A_142 = tpu.memref_squeeze %dma_wait3A_141 : memref<1x100xi32, #tpu.memory_space<vmem>> -> memref<100xi32, #tpu.memory_space<vmem>>
      %dma_wait3A_143 = arith.constant 0 : i32
      %dma_wait3A_144 = arith.constant 0 : i32
      %dma_wait3A_145 = tpu.memref_slice %arg2[%dma_wait3A_143, %dma_wait3A_144] : memref<2000000x64xf32, #tpu.memory_space<hbm>> -> memref<2000000x64xf32, #tpu.memory_space<hbm>>
      tpu.wait_indirect_dma semaphore(%arg9 : memref<!tpu.dma_semaphore, #tpu.memory_space<semaphore_mem>>) src(%dma_wait3A_145 : memref<2000000x64xf32, #tpu.memory_space<hbm>>) dst(%dma_wait3A_139 : memref<100x64xf32, #tpu.memory_space<vmem>>)
      %dma_wait3A_146 = arith.constant 4 : i32
      %dma_wait3A_147 = arith.constant 400 : i32
      %dma_wait3A_148 = arith.constant 0 : i32
      %dma_wait3A_149 = tpu.memref_slice %arg7[%dma_wait3A_147, %dma_wait3A_148] : memref<800x64xf32, #tpu.memory_space<vmem>> -> memref<100x64xf32, #tpu.memory_space<vmem>>
      %dma_wait3A_150 = arith.constant 0 : i32
      %dma_wait3A_151 = tpu.memref_slice %arg6[%dma_wait3A_146, %dma_wait3A_150] : memref<8x100xi32, #tpu.memory_space<vmem>> -> memref<1x100xi32, #tpu.memory_space<vmem>>
      %dma_wait3A_152 = tpu.memref_squeeze %dma_wait3A_151 : memref<1x100xi32, #tpu.memory_space<vmem>> -> memref<100xi32, #tpu.memory_space<vmem>>
      %dma_wait3A_153 = arith.constant 0 : i32
      %dma_wait3A_154 = arith.constant 0 : i32
      %dma_wait3A_155 = tpu.memref_slice %arg2[%dma_wait3A_153, %dma_wait3A_154] : memref<2000000x64xf32, #tpu.memory_space<hbm>> -> memref<2000000x64xf32, #tpu.memory_space<hbm>>
      tpu.wait_indirect_dma semaphore(%arg9 : memref<!tpu.dma_semaphore, #tpu.memory_space<semaphore_mem>>) src(%dma_wait3A_155 : memref<2000000x64xf32, #tpu.memory_space<hbm>>) dst(%dma_wait3A_149 : memref<100x64xf32, #tpu.memory_space<vmem>>)
      %dma_wait3A_156 = arith.constant 5 : i32
      %dma_wait3A_157 = arith.constant 500 : i32
      %dma_wait3A_158 = arith.constant 0 : i32
      %dma_wait3A_159 = tpu.memref_slice %arg7[%dma_wait3A_157, %dma_wait3A_158] : memref<800x64xf32, #tpu.memory_space<vmem>> -> memref<100x64xf32, #tpu.memory_space<vmem>>
      %dma_wait3A_160 = arith.constant 0 : i32
      %dma_wait3A_161 = tpu.memref_slice %arg6[%dma_wait3A_156, %dma_wait3A_160] : memref<8x100xi32, #tpu.memory_space<vmem>> -> memref<1x100xi32, #tpu.memory_space<vmem>>
      %dma_wait3A_162 = tpu.memref_squeeze %dma_wait3A_161 : memref<1x100xi32, #tpu.memory_space<vmem>> -> memref<100xi32, #tpu.memory_space<vmem>>
      %dma_wait3A_163 = arith.constant 0 : i32
      %dma_wait3A_164 = arith.constant 0 : i32
      %dma_wait3A_165 = tpu.memref_slice %arg2[%dma_wait3A_163, %dma_wait3A_164] : memref<2000000x64xf32, #tpu.memory_space<hbm>> -> memref<2000000x64xf32, #tpu.memory_space<hbm>>
      tpu.wait_indirect_dma semaphore(%arg9 : memref<!tpu.dma_semaphore, #tpu.memory_space<semaphore_mem>>) src(%dma_wait3A_165 : memref<2000000x64xf32, #tpu.memory_space<hbm>>) dst(%dma_wait3A_159 : memref<100x64xf32, #tpu.memory_space<vmem>>)
      %dma_wait3A_166 = arith.constant 6 : i32
      %dma_wait3A_167 = arith.constant 600 : i32
      %dma_wait3A_168 = arith.constant 0 : i32
      %dma_wait3A_169 = tpu.memref_slice %arg7[%dma_wait3A_167, %dma_wait3A_168] : memref<800x64xf32, #tpu.memory_space<vmem>> -> memref<100x64xf32, #tpu.memory_space<vmem>>
      %dma_wait3A_170 = arith.constant 0 : i32
      %dma_wait3A_171 = tpu.memref_slice %arg6[%dma_wait3A_166, %dma_wait3A_170] : memref<8x100xi32, #tpu.memory_space<vmem>> -> memref<1x100xi32, #tpu.memory_space<vmem>>
      %dma_wait3A_172 = tpu.memref_squeeze %dma_wait3A_171 : memref<1x100xi32, #tpu.memory_space<vmem>> -> memref<100xi32, #tpu.memory_space<vmem>>
      %dma_wait3A_173 = arith.constant 0 : i32
      %dma_wait3A_174 = arith.constant 0 : i32
      %dma_wait3A_175 = tpu.memref_slice %arg2[%dma_wait3A_173, %dma_wait3A_174] : memref<2000000x64xf32, #tpu.memory_space<hbm>> -> memref<2000000x64xf32, #tpu.memory_space<hbm>>
      tpu.wait_indirect_dma semaphore(%arg9 : memref<!tpu.dma_semaphore, #tpu.memory_space<semaphore_mem>>) src(%dma_wait3A_175 : memref<2000000x64xf32, #tpu.memory_space<hbm>>) dst(%dma_wait3A_169 : memref<100x64xf32, #tpu.memory_space<vmem>>)
      %dma_wait3A_176 = arith.constant 7 : i32
      %dma_wait3A_177 = arith.constant 700 : i32
      %dma_wait3A_178 = arith.constant 0 : i32
      %dma_wait3A_179 = tpu.memref_slice %arg7[%dma_wait3A_177, %dma_wait3A_178] : memref<800x64xf32, #tpu.memory_space<vmem>> -> memref<100x64xf32, #tpu.memory_space<vmem>>
      %dma_wait3A_180 = arith.constant 0 : i32
      %dma_wait3A_181 = tpu.memref_slice %arg6[%dma_wait3A_176, %dma_wait3A_180] : memref<8x100xi32, #tpu.memory_space<vmem>> -> memref<1x100xi32, #tpu.memory_space<vmem>>
      %dma_wait3A_182 = tpu.memref_squeeze %dma_wait3A_181 : memref<1x100xi32, #tpu.memory_space<vmem>> -> memref<100xi32, #tpu.memory_space<vmem>>
      %dma_wait3A_183 = arith.constant 0 : i32
      %dma_wait3A_184 = arith.constant 0 : i32
      %dma_wait3A_185 = tpu.memref_slice %arg2[%dma_wait3A_183, %dma_wait3A_184] : memref<2000000x64xf32, #tpu.memory_space<hbm>> -> memref<2000000x64xf32, #tpu.memory_space<hbm>>
      tpu.wait_indirect_dma semaphore(%arg9 : memref<!tpu.dma_semaphore, #tpu.memory_space<semaphore_mem>>) src(%dma_wait3A_185 : memref<2000000x64xf32, #tpu.memory_space<hbm>>) dst(%dma_wait3A_179 : memref<100x64xf32, #tpu.memory_space<vmem>>)
      %scan3A_186 = arith.constant 0 : i32
      %scan3A_187 = arith.constant 0 : i32
      %scan3A_188 = arith.constant 200 : i32
      %scan3A_189 = arith.addi %scan3A_187, %scan3A_188 : i32
      %scan3A_190 = arith.constant 1 : i32
      scf.for %scan3A_192 = %scan3A_187 to %scan3A_189 step %scan3A_190  : i32 {
        %get3A = arith.index_cast %scan3A_192 : i32 to index
        %get3A_193 = arith.constant 0 : index
        %get3A_194 = tpu.vector_load %arg8[%get3A, %get3A_193] {strides = array<i32>} : memref<200x64xf32, #tpu.memory_space<vmem>>, vector<1x16xf32>,
        %get3A_195 = vector.shape_cast %get3A_194 : vector<1x16xf32> to vector<16xf32>
        %add3A_196 = arith.constant 0 : i32
        %add3A_197 = arith.addi %add3A_196, %scan3A_192 : i32
        %swap3A = arith.index_cast %add3A_197 : i32 to index
        %swap3A_198 = arith.constant 0 : index
        %swap3A_199 = tpu.vector_load %arg7[%swap3A, %swap3A_198] {strides = array<i32>} : memref<800x64xf32, #tpu.memory_space<vmem>>, vector<1x16xf32>,
        %swap3A_200 = vector.shape_cast %swap3A_199 : vector<1x16xf32> to vector<16xf32>
        %swap3A_201 = vector.shape_cast %get3A_195 : vector<16xf32> to vector<1x16xf32>
        tpu.vector_store %arg7[%swap3A, %swap3A_198], %swap3A_201 {add = true, strides = array<i32>} : memref<800x64xf32, #tpu.memory_space<vmem>>, vector<1x16xf32>,
        %add3A_202 = arith.constant 200 : i32
        %add3A_203 = arith.addi %add3A_202, %scan3A_192 : i32
        %swap3A_204 = arith.index_cast %add3A_203 : i32 to index
        %swap3A_205 = arith.constant 0 : index
        %swap3A_206 = tpu.vector_load %arg7[%swap3A_204, %swap3A_205] {strides = array<i32>} : memref<800x64xf32, #tpu.memory_space<vmem>>, vector<1x16xf32>,
        %swap3A_207 = vector.shape_cast %swap3A_206 : vector<1x16xf32> to vector<16xf32>
        %swap3A_208 = vector.shape_cast %get3A_195 : vector<16xf32> to vector<1x16xf32>
        tpu.vector_store %arg7[%swap3A_204, %swap3A_205], %swap3A_208 {add = true, strides = array<i32>} : memref<800x64xf32, #tpu.memory_space<vmem>>, vector<1x16xf32>,
        %add3A_209 = arith.constant 400 : i32
        %add3A_210 = arith.addi %add3A_209, %scan3A_192 : i32
        %swap3A_211 = arith.index_cast %add3A_210 : i32 to index
        %swap3A_212 = arith.constant 0 : index
        %swap3A_213 = tpu.vector_load %arg7[%swap3A_211, %swap3A_212] {strides = array<i32>} : memref<800x64xf32, #tpu.memory_space<vmem>>, vector<1x16xf32>,
        %swap3A_214 = vector.shape_cast %swap3A_213 : vector<1x16xf32> to vector<16xf32>
        %swap3A_215 = vector.shape_cast %get3A_195 : vector<16xf32> to vector<1x16xf32>
        tpu.vector_store %arg7[%swap3A_211, %swap3A_212], %swap3A_215 {add = true, strides = array<i32>} : memref<800x64xf32, #tpu.memory_space<vmem>>, vector<1x16xf32>,
        %add3A_216 = arith.constant 600 : i32
        %add3A_217 = arith.addi %add3A_216, %scan3A_192 : i32
        %swap3A_218 = arith.index_cast %add3A_217 : i32 to index
        %swap3A_219 = arith.constant 0 : index
        %swap3A_220 = tpu.vector_load %arg7[%swap3A_218, %swap3A_219] {strides = array<i32>} : memref<800x64xf32, #tpu.memory_space<vmem>>, vector<1x16xf32>,
        %swap3A_221 = vector.shape_cast %swap3A_220 : vector<1x16xf32> to vector<16xf32>
        %swap3A_222 = vector.shape_cast %get3A_195 : vector<16xf32> to vector<1x16xf32>
        tpu.vector_store %arg7[%swap3A_218, %swap3A_219], %swap3A_222 {add = true, strides = array<i32>} : memref<800x64xf32, #tpu.memory_space<vmem>>, vector<1x16xf32>,
        %get3A_223 = arith.index_cast %scan3A_192 : i32 to index
        %get3A_224 = arith.constant 16 : index
        %get3A_225 = tpu.vector_load %arg8[%get3A_223, %get3A_224] {strides = array<i32>} : memref<200x64xf32, #tpu.memory_space<vmem>>, vector<1x16xf32>,
        %get3A_226 = vector.shape_cast %get3A_225 : vector<1x16xf32> to vector<16xf32>
        %add3A_227 = arith.constant 0 : i32
        %add3A_228 = arith.addi %add3A_227, %scan3A_192 : i32
        %swap3A_229 = arith.index_cast %add3A_228 : i32 to index
        %swap3A_230 = arith.constant 16 : index
        %swap3A_231 = tpu.vector_load %arg7[%swap3A_229, %swap3A_230] {strides = array<i32>} : memref<800x64xf32, #tpu.memory_space<vmem>>, vector<1x16xf32>,
        %swap3A_232 = vector.shape_cast %swap3A_231 : vector<1x16xf32> to vector<16xf32>
        %swap3A_233 = vector.shape_cast %get3A_226 : vector<16xf32> to vector<1x16xf32>
        tpu.vector_store %arg7[%swap3A_229, %swap3A_230], %swap3A_233 {add = true, strides = array<i32>} : memref<800x64xf32, #tpu.memory_space<vmem>>, vector<1x16xf32>,
        %add3A_234 = arith.constant 200 : i32
        %add3A_235 = arith.addi %add3A_234, %scan3A_192 : i32
        %swap3A_236 = arith.index_cast %add3A_235 : i32 to index
        %swap3A_237 = arith.constant 16 : index
        %swap3A_238 = tpu.vector_load %arg7[%swap3A_236, %swap3A_237] {strides = array<i32>} : memref<800x64xf32, #tpu.memory_space<vmem>>, vector<1x16xf32>,
        %swap3A_239 = vector.shape_cast %swap3A_238 : vector<1x16xf32> to vector<16xf32>
        %swap3A_240 = vector.shape_cast %get3A_226 : vector<16xf32> to vector<1x16xf32>
        tpu.vector_store %arg7[%swap3A_236, %swap3A_237], %swap3A_240 {add = true, strides = array<i32>} : memref<800x64xf32, #tpu.memory_space<vmem>>, vector<1x16xf32>,
        %add3A_241 = arith.constant 400 : i32
        %add3A_242 = arith.addi %add3A_241, %scan3A_192 : i32
        %swap3A_243 = arith.index_cast %add3A_242 : i32 to index
        %swap3A_244 = arith.constant 16 : index
        %swap3A_245 = tpu.vector_load %arg7[%swap3A_243, %swap3A_244] {strides = array<i32>} : memref<800x64xf32, #tpu.memory_space<vmem>>, vector<1x16xf32>,
        %swap3A_246 = vector.shape_cast %swap3A_245 : vector<1x16xf32> to vector<16xf32>
        %swap3A_247 = vector.shape_cast %get3A_226 : vector<16xf32> to vector<1x16xf32>
        tpu.vector_store %arg7[%swap3A_243, %swap3A_244], %swap3A_247 {add = true, strides = array<i32>} : memref<800x64xf32, #tpu.memory_space<vmem>>, vector<1x16xf32>,
        %add3A_248 = arith.constant 600 : i32
        %add3A_249 = arith.addi %add3A_248, %scan3A_192 : i32
        %swap3A_250 = arith.index_cast %add3A_249 : i32 to index
        %swap3A_251 = arith.constant 16 : index
        %swap3A_252 = tpu.vector_load %arg7[%swap3A_250, %swap3A_251] {strides = array<i32>} : memref<800x64xf32, #tpu.memory_space<vmem>>, vector<1x16xf32>,
        %swap3A_253 = vector.shape_cast %swap3A_252 : vector<1x16xf32> to vector<16xf32>
        %swap3A_254 = vector.shape_cast %get3A_226 : vector<16xf32> to vector<1x16xf32>
        tpu.vector_store %arg7[%swap3A_250, %swap3A_251], %swap3A_254 {add = true, strides = array<i32>} : memref<800x64xf32, #tpu.memory_space<vmem>>, vector<1x16xf32>,
        %get3A_255 = arith.index_cast %scan3A_192 : i32 to index
        %get3A_256 = arith.constant 32 : index
        %get3A_257 = tpu.vector_load %arg8[%get3A_255, %get3A_256] {strides = array<i32>} : memref<200x64xf32, #tpu.memory_space<vmem>>, vector<1x16xf32>,
        %get3A_258 = vector.shape_cast %get3A_257 : vector<1x16xf32> to vector<16xf32>
        %add3A_259 = arith.constant 0 : i32
        %add3A_260 = arith.addi %add3A_259, %scan3A_192 : i32
        %swap3A_261 = arith.index_cast %add3A_260 : i32 to index
        %swap3A_262 = arith.constant 32 : index
        %swap3A_263 = tpu.vector_load %arg7[%swap3A_261, %swap3A_262] {strides = array<i32>} : memref<800x64xf32, #tpu.memory_space<vmem>>, vector<1x16xf32>,
        %swap3A_264 = vector.shape_cast %swap3A_263 : vector<1x16xf32> to vector<16xf32>
        %swap3A_265 = vector.shape_cast %get3A_258 : vector<16xf32> to vector<1x16xf32>
        tpu.vector_store %arg7[%swap3A_261, %swap3A_262], %swap3A_265 {add = true, strides = array<i32>} : memref<800x64xf32, #tpu.memory_space<vmem>>, vector<1x16xf32>,
        %add3A_266 = arith.constant 200 : i32
        %add3A_267 = arith.addi %add3A_266, %scan3A_192 : i32
        %swap3A_268 = arith.index_cast %add3A_267 : i32 to index
        %swap3A_269 = arith.constant 32 : index
        %swap3A_270 = tpu.vector_load %arg7[%swap3A_268, %swap3A_269] {strides = array<i32>} : memref<800x64xf32, #tpu.memory_space<vmem>>, vector<1x16xf32>,
        %swap3A_271 = vector.shape_cast %swap3A_270 : vector<1x16xf32> to vector<16xf32>
        %swap3A_272 = vector.shape_cast %get3A_258 : vector<16xf32> to vector<1x16xf32>
        tpu.vector_store %arg7[%swap3A_268, %swap3A_269], %swap3A_272 {add = true, strides = array<i32>} : memref<800x64xf32, #tpu.memory_space<vmem>>, vector<1x16xf32>,
        %add3A_273 = arith.constant 400 : i32
        %add3A_274 = arith.addi %add3A_273, %scan3A_192 : i32
        %swap3A_275 = arith.index_cast %add3A_274 : i32 to index
        %swap3A_276 = arith.constant 32 : index
        %swap3A_277 = tpu.vector_load %arg7[%swap3A_275, %swap3A_276] {strides = array<i32>} : memref<800x64xf32, #tpu.memory_space<vmem>>, vector<1x16xf32>,
        %swap3A_278 = vector.shape_cast %swap3A_277 : vector<1x16xf32> to vector<16xf32>
        %swap3A_279 = vector.shape_cast %get3A_258 : vector<16xf32> to vector<1x16xf32>
        tpu.vector_store %arg7[%swap3A_275, %swap3A_276], %swap3A_279 {add = true, strides = array<i32>} : memref<800x64xf32, #tpu.memory_space<vmem>>, vector<1x16xf32>,
        %add3A_280 = arith.constant 600 : i32
        %add3A_281 = arith.addi %add3A_280, %scan3A_192 : i32
        %swap3A_282 = arith.index_cast %add3A_281 : i32 to index
        %swap3A_283 = arith.constant 32 : index
        %swap3A_284 = tpu.vector_load %arg7[%swap3A_282, %swap3A_283] {strides = array<i32>} : memref<800x64xf32, #tpu.memory_space<vmem>>, vector<1x16xf32>,
        %swap3A_285 = vector.shape_cast %swap3A_284 : vector<1x16xf32> to vector<16xf32>
        %swap3A_286 = vector.shape_cast %get3A_258 : vector<16xf32> to vector<1x16xf32>
        tpu.vector_store %arg7[%swap3A_282, %swap3A_283], %swap3A_286 {add = true, strides = array<i32>} : memref<800x64xf32, #tpu.memory_space<vmem>>, vector<1x16xf32>,
        %get3A_287 = arith.index_cast %scan3A_192 : i32 to index
        %get3A_288 = arith.constant 48 : index
        %get3A_289 = tpu.vector_load %arg8[%get3A_287, %get3A_288] {strides = array<i32>} : memref<200x64xf32, #tpu.memory_space<vmem>>, vector<1x16xf32>,
        %get3A_290 = vector.shape_cast %get3A_289 : vector<1x16xf32> to vector<16xf32>
        %add3A_291 = arith.constant 0 : i32
        %add3A_292 = arith.addi %add3A_291, %scan3A_192 : i32
        %swap3A_293 = arith.index_cast %add3A_292 : i32 to index
        %swap3A_294 = arith.constant 48 : index
        %swap3A_295 = tpu.vector_load %arg7[%swap3A_293, %swap3A_294] {strides = array<i32>} : memref<800x64xf32, #tpu.memory_space<vmem>>, vector<1x16xf32>,
        %swap3A_296 = vector.shape_cast %swap3A_295 : vector<1x16xf32> to vector<16xf32>
        %swap3A_297 = vector.shape_cast %get3A_290 : vector<16xf32> to vector<1x16xf32>
        tpu.vector_store %arg7[%swap3A_293, %swap3A_294], %swap3A_297 {add = true, strides = array<i32>} : memref<800x64xf32, #tpu.memory_space<vmem>>, vector<1x16xf32>,
        %add3A_298 = arith.constant 200 : i32
        %add3A_299 = arith.addi %add3A_298, %scan3A_192 : i32
        %swap3A_300 = arith.index_cast %add3A_299 : i32 to index
        %swap3A_301 = arith.constant 48 : index
        %swap3A_302 = tpu.vector_load %arg7[%swap3A_300, %swap3A_301] {strides = array<i32>} : memref<800x64xf32, #tpu.memory_space<vmem>>, vector<1x16xf32>,
        %swap3A_303 = vector.shape_cast %swap3A_302 : vector<1x16xf32> to vector<16xf32>
        %swap3A_304 = vector.shape_cast %get3A_290 : vector<16xf32> to vector<1x16xf32>
        tpu.vector_store %arg7[%swap3A_300, %swap3A_301], %swap3A_304 {add = true, strides = array<i32>} : memref<800x64xf32, #tpu.memory_space<vmem>>, vector<1x16xf32>,
        %add3A_305 = arith.constant 400 : i32
        %add3A_306 = arith.addi %add3A_305, %scan3A_192 : i32
        %swap3A_307 = arith.index_cast %add3A_306 : i32 to index
        %swap3A_308 = arith.constant 48 : index
        %swap3A_309 = tpu.vector_load %arg7[%swap3A_307, %swap3A_308] {strides = array<i32>} : memref<800x64xf32, #tpu.memory_space<vmem>>, vector<1x16xf32>,
        %swap3A_310 = vector.shape_cast %swap3A_309 : vector<1x16xf32> to vector<16xf32>
        %swap3A_311 = vector.shape_cast %get3A_290 : vector<16xf32> to vector<1x16xf32>
        tpu.vector_store %arg7[%swap3A_307, %swap3A_308], %swap3A_311 {add = true, strides = array<i32>} : memref<800x64xf32, #tpu.memory_space<vmem>>, vector<1x16xf32>,
        %add3A_312 = arith.constant 600 : i32
        %add3A_313 = arith.addi %add3A_312, %scan3A_192 : i32
        %swap3A_314 = arith.index_cast %add3A_313 : i32 to index
        %swap3A_315 = arith.constant 48 : index
        %swap3A_316 = tpu.vector_load %arg7[%swap3A_314, %swap3A_315] {strides = array<i32>} : memref<800x64xf32, #tpu.memory_space<vmem>>, vector<1x16xf32>,
        %swap3A_317 = vector.shape_cast %swap3A_316 : vector<1x16xf32> to vector<16xf32>
        %swap3A_318 = vector.shape_cast %get3A_290 : vector<16xf32> to vector<1x16xf32>
        tpu.vector_store %arg7[%swap3A_314, %swap3A_315], %swap3A_318 {add = true, strides = array<i32>} : memref<800x64xf32, #tpu.memory_space<vmem>>, vector<1x16xf32>,
      }
      %scan3A_191 = arith.constant 200 : i32
      "tpu.region"() ({
        %run_scoped3A = tpu.sem_alloc : memref<!tpu.dma_semaphore, #tpu.memory_space<semaphore_mem>>
        %dma_start3A_192 = arith.constant 0 : i32
        %dma_start3A_193 = tpu.memref_slice %arg5[%add3A_11, %dma_start3A_192] : memref<819200x128xf32, #tpu.memory_space<hbm>> -> memref<800x64xf32, #tpu.memory_space<hbm>>
        %dma_start3A_194 = arith.constant 0 : i32
        %dma_start3A_195 = tpu.memref_slice %arg5[%add3A_11, %dma_start3A_194] : memref<819200x128xf32, #tpu.memory_space<hbm>> -> memref<800x64xf32, #tpu.memory_space<hbm>>
        tpu.enqueue_dma source(%arg7 : memref<800x64xf32, #tpu.memory_space<vmem>>) target(%dma_start3A_195 : memref<800x64xf32, #tpu.memory_space<hbm>>) target_semaphore(%run_scoped3A : memref<!tpu.dma_semaphore, #tpu.memory_space<semaphore_mem>>)
        %dma_wait3A_196 = arith.constant 0 : i32
        %dma_wait3A_197 = tpu.memref_slice %arg5[%add3A_11, %dma_wait3A_196] : memref<819200x128xf32, #tpu.memory_space<hbm>> -> memref<800x64xf32, #tpu.memory_space<hbm>>
        %dma_wait3A_198 = arith.constant 0 : i32
        %dma_wait3A_199 = tpu.memref_slice %arg5[%add3A_11, %dma_wait3A_198] : memref<819200x128xf32, #tpu.memory_space<hbm>> -> memref<800x64xf32, #tpu.memory_space<hbm>>
        tpu.wait_dma2 semaphore(%run_scoped3A : memref<!tpu.dma_semaphore, #tpu.memory_space<semaphore_mem>>) src(%arg7 : memref<800x64xf32, #tpu.memory_space<vmem>>) dst(%dma_wait3A_199 : memref<800x64xf32, #tpu.memory_space<hbm>>)
        tpu.yield
      }) : () -> ()
    }
    %scan3A_7 = arith.constant 32 : i32
    return
  }
}

</mosaic_0001>

<sc_bundles>
// kernel: kernel.3.cloned.1.call-start
scs
__scs_entry_jumppad:
0x0: {  	(pc) =	sbr.rel $0x88, $3  }
0x1: {  	(tag) =	ssettag $0x0;
	lr =	simm.s32 $0x1  }
0x2: {  	[smem:$0x3F9E] =	sst lr;
	_ =	strace $0xD0000000  }
0x3: {  	_ = 	snop  }
0x4: {  	_ = 	snop  }
0x5: {  	_ = 	snop  }
0x6: {  	_ = 	snop  }
0x7: {  	_ = 	snop  }
__scs_overlays_trampoline_lowered:
0x8: {  	[smem:$0x3FAD] =	sst s0  }
0x9: {  	[smem:$0x3FAE] =	sst s1  }
0xa: {  	[smem:$0x3FAF] =	sst s2  }
0xb: {  	[smem:$0x3FB0] =	sst s3  }
0xc: {  	[smem:$0x3FB1] =	sst s4  }
0xd: {  	[smem:$0x3FB2] =	sst s5  }
0xe: {  	[smem:$0x3FB3] =	sst s6  }
0xf: {  	[smem:$0x3FB4] =	sst s7  }
0x10: {  	[smem:$0x3FB5] =	sst s8  }
0x11: {  	[smem:$0x3FB6] =	sst s9;
	s0 =	simm.s32 @!p0 $0x0  }
0x12: {  	s1 =	sld [smem:$0x3F9C];
	s0 =	simm.s32 @p0 $0x1  }
0x13: {  	[smem:$0x3FB7] =	sst s0;
	s0 =	simm.s32 @!p1 $0x0  }
0x14: {  	s2 =	sld [smem:$0x3F9B];
	s0 =	simm.s32 @p1 $0x1  }
0x15: {  	[smem:$0x3FB8] =	sst s0;
	s0 =	simm.s32 @!p2 $0x0  }
0x16: {  	s3 =	sld [smem:$0x3FDB];
	s0 =	simm.s32 @p2 $0x1  }
0x17: {  	s4 =	simm.s32 $0x1BF5;
	[smem:$0x3FBA] =	sst s0  }
0x18: {  	s0 =	sld [smem:$0x3F9D];
	_ =	swait.ge [sflag:s4], $0x0  }
0x19: {  	s7 =	sld [smem:$0x3F9E]  }
0x1a: {  	s8 =	sadd.s32 $0xFFFFE003, lr  }
0x1b: {  	s9 =	sadd.s32 $0xFFFFFEF7, lr;
	s5 =	simm.s32 $0xFFFFFFFF;
	p2 =	slt.u32 s8, $0xFFFFF086  }
0x1c: {  	p1 =	slt.u32 s9, $0xF7A;
	s5 =	simm.s32 @!p2 $0x0  }
0x1d: {  	s5 =	simm.s32 @p1 $0x1;
	p0 =	seq.s32 s7, s2  }
0x1e: {  	s7 =	smul.u32 @!p0 $0xF7A, s2;
	p2 =	seq.s32 @!p0 s5, $0x0  }
0x1f: {  	s9 =	smul.u32 $0xF7A, s1;
	s8 =	simm.s32 @!p0 $0x1BF5;
	p2 =	por !p2, p0  }
0x20: {  	[sflag:s8] =	ssyncset.s32 @!p0 $0xFFFFF086;
	s6 =	sadd.s32 @!p0 s3, s7;
	s7 =	simm.s32 @!p0 $0x108  }
0x21: {  	s3 =	sadd.s32 s3, s9;
	s6 =	sadd.s32 @!p0 $0x88, s6;
	s7 =	simm.s32 @p2 $0x1082  }
0x22: {  	[simem:s7], [sflag:s8] =	dma.local @!p0 [hbm:s6], $0xF7A  }
0x23: {  	s9 =	sor.u32 $0xD0000000, s2;
	s6 =	simm.s32 $0x108;
	_ =	swait.ge @!p0 [sflag:s8], $0x0  }
0x24: {  	s3 =	sadd.s32 $0x88, s3;
	s6 =	simm.s32 @!p1 $0x1082;
	[sflag:s4] =	ssyncset.s32 $0xFFFFF086  }
0x25: {  	[simem:s6], [sflag:s4] =	dma.local [hbm:s3], $0xF7A  }
0x26: {  	[smem:$0x3F9E] =	sst s1;
	(tag) =	ssettag s2;
	_ =	strace s9  }
0x27: {  	s1 =	sld [smem:$0x3FAE]  }
0x28: {  	s2 =	sld [smem:$0x3FAF]  }
0x29: {  	s4 =	sld [smem:$0x3FB1]  }
0x2a: {  	p0 =	seq.s32 s5, $0x0;
	s5 =	sld [smem:$0x3FB2]  }
0x2b: {  	s6 =	sld [smem:$0x3FB3]  }
0x2c: {  	s7 =	sld [smem:$0x3FB4]  }
0x2d: {  	s3 =	simm.s32 $0x108;
	s8 =	sld [smem:$0x3FB5]  }
0x2e: {  	s3 =	simm.s32 @!p0 $0x1082;
	s9 =	sld [smem:$0x3FB6]  }
0x2f: {  	lr =	sadd.s32 s0, s3;
	s0 =	sld [smem:$0x3FAD]  }
0x30: {  	s3 =	sld [smem:$0x3FB0]  }
0x31: {  	[smem:$0x3FB9] =	sst s10  }
0x32: {  	s10 =	sld [smem:$0x3FB7];
	_ =	sdelay $0x3  }
0x33: {  	p0 =	seq.s32 s10, $0x1;
	s10 =	sld [smem:$0x3FB9];
	_ =	sdelay $0x3  }
0x34: {  	[smem:$0x3FB9] =	sst s10  }
0x35: {  	s10 =	sld [smem:$0x3FB8];
	_ =	sdelay $0x3  }
0x36: {  	p1 =	seq.s32 s10, $0x1;
	s10 =	sld [smem:$0x3FB9];
	_ =	sdelay $0x3  }
0x37: {  	[smem:$0x3FB9] =	sst s10  }
0x38: {  	s10 =	sld [smem:$0x3FBA]  }
0x39: {  	_ = 	snop;
	(pc) =	sbr.ind lr, $3  }
0x3a: {  	_ = 	snop  }
0x3b: {  	_ = 	snop  }
0x3c: {  	p2 =	seq.s32 s10, $0x1;
	s10 =	sld [smem:$0x3FB9]  }
0x3d: {  	_ =	shalt  }
0x3e: {  	_ =	shalt  }
0x3f: {  	_ =	shalt  }
0x40: {  	_ =	shalt  }
0x41: {  	_ =	shalt  }
0x42: {  	_ =	shalt  }
0x43: {  	_ =	shalt  }
0x44: {  	_ =	shalt  }
0x45: {  	_ =	shalt  }
0x46: {  	_ =	shalt  }
0x47: {  	_ =	shalt  }
0x48: {  	_ =	shalt  }
0x49: {  	_ =	shalt  }
0x4a: {  	_ =	shalt  }
0x4b: {  	_ =	shalt  }
0x4c: {  	_ =	shalt  }
0x4d: {  	_ =	shalt  }
0x4e: {  	_ =	shalt  }
0x4f: {  	_ =	shalt  }
0x50: {  	_ =	shalt  }
0x51: {  	_ =	shalt  }
0x52: {  	_ =	shalt  }
0x53: {  	_ =	shalt  }
0x54: {  	_ =	shalt  }
0x55: {  	_ =	shalt  }
0x56: {  	_ =	shalt  }
0x57: {  	_ =	shalt  }
0x58: {  	_ =	shalt  }
0x59: {  	_ =	shalt  }
0x5a: {  	_ =	shalt  }
0x5b: {  	_ =	shalt  }
0x5c: {  	_ =	shalt  }
0x5d: {  	_ =	shalt  }
0x5e: {  	_ =	shalt  }
0x5f: {  	_ =	shalt  }
0x60: {  	_ =	shalt  }
0x61: {  	_ =	shalt  }
0x62: {  	_ =	shalt  }
0x63: {  	_ =	shalt  }
0x64: {  	_ =	shalt  }
0x65: {  	_ =	shalt  }
0x66: {  	_ =	shalt  }
0x67: {  	_ =	shalt  }
0x68: {  	_ =	shalt  }
0x69: {  	_ =	shalt  }
0x6a: {  	_ =	shalt  }
0x6b: {  	_ =	shalt  }
0x6c: {  	_ =	shalt  }
0x6d: {  	_ =	shalt  }
0x6e: {  	_ =	shalt  }
0x6f: {  	_ =	shalt  }
0x70: {  	_ =	shalt  }
0x71: {  	_ =	shalt  }
0x72: {  	_ =	shalt  }
0x73: {  	_ =	shalt  }
0x74: {  	_ =	shalt  }
0x75: {  	_ =	shalt  }
0x76: {  	_ =	shalt  }
0x77: {  	_ =	shalt  }
0x78: {  	_ =	shalt  }
0x79: {  	_ =	shalt  }
0x7a: {  	_ =	shalt  }
0x7b: {  	_ =	shalt  }
0x7c: {  	_ =	shalt  }
0x7d: {  	_ =	shalt  }
0x7e: {  	_ =	shalt  }
0x7f: {  	_ =	shalt  }
0x80: {  	_ =	shalt  }
0x81: {  	_ =	shalt  }
0x82: {  	_ =	shalt  }
0x83: {  	_ =	shalt  }
0x84: {  	_ =	shalt  }
0x85: {  	_ =	shalt  }
0x86: {  	_ =	shalt  }
0x87: {  	_ =	shalt  }
.Lfunc_end0:
.L_simem_size_0:
called_computation.2_lowered:
.L_overlay_start_0:
0x88: {  	s2 =	sld [smem:$0x3FD9]  }
0x89: {  	s3 =	sld [smem:$0x3FFE];
	_ =	sdelay $0x1  }
0x8a: {  	s1 =	srdreg.scid  }
0x8b: {  	s0 =	sand.u32 $0x1, s1  }
0x8c: {  	s17 =	sshll.u32 s0, $0xA;
	s2 =	sadd.s32 s3, s2  }
0x8d: {  	s2 =	sadd.s32 s2, s17  }
0x8e: {  	[smem:$0x3FC5] =	sst s2  }
0x8f: {  	_ = 	snop  }
0x90: {  	s2 =	sld [smem:$0x3FD0];
	(tm) =	ssettm $0x1  }
0x91: {  	s18 =	sld [smem:$0x3FFB];
	_ =	sdelay $0x3  }
0x92: {  	_ =	strace s18  }
0x93: {  	s3 =	sld [smem:$0x3FFC];
	_ =	sdelay $0x3  }
0x94: {  	_ =	strace s3  }
0x95: {  	s3 =	sld [smem:$0x3FFD];
	_ =	sdelay $0x3  }
0x96: {  	_ =	strace s3  }
0x97: {  	_ =	strace $0x8FFFFFFF  }
0x98: {  	s19 =	sld [smem:$0x3FDB];
	_ =	sdelay $0x1  }
0x99: {  	s4 =	simm.s32 $_scs_section_size  }
0x9a: {  	s5 =	simm.s32 $_size__tile_overlayer_lowered;
	s6 =	simm.s32 $_tile_overlayer_lowered  }
0x9b: {  	s22 =	simm.s32 $0x1BFF;
	s21 =	sshll.u32 s6, $0x1;
	s3 =	sadd.s32 s4, s19  }
0x9c: {  	s7 =	simm.s32 $0x0;
	s20 =	sshll.u32 s5, $0x1;
	s5 =	sadd.s32 s21, s3  }
0x9d: {  	[timem:s7], [sflag:s22] =	dma.local [hbm:s5], s20  }
0x9e: {  	_ =	swait.ge [sflag:s22], s20  }
0x9f: {  	s4 =	ssub.s32 $0x0, s20;
	[sflag:s22] =	ssyncset.done $0x0  }
0xa0: {  	[sflag:s22] =	ssyncadd.s32 s4;
	_ =	sdelay $0x1  }
0xa1: {  	s23 =	simm.s32 $0x1B8B  }
0xa2: {  	_ =	swait.ge [sflag:s23], $0x1  }
0xa3: {  	[sflag:s23] =	ssyncset.done $0x0  }
0xa4: {  	s25 =	simm.s32 $0x1B8E;
	s24 =	sld [smem:$0x3FFE];
	[sflag:s23] =	ssyncadd.s32 $0xFFFFFFFF  }
0xa5: {  	s26 =	simm.s32 $execute0_lowered;
	[smem:$0x3FD2] =	sst s25  }
0xa6: {  	s5 =	sshll.u32 s26, $0x1;
	_ =	strace $0x80000049;
	[dreg:$0x1] =	wrdreg $0xFFFFFFFF  }
0xa7: {  	s28 =	simm.s32 $_size_execute0_lowered;
	s3 =	sadd.s32 s3, s5;
	[dreg:$0x0] =	wrdreg $0x0  }
0xa8: {  	s5 =	sshll.u32 s28, $0x1;
	[dreg:$0x2] =	wrdreg s3  }
0xa9: {  	[dreg:$0x3] =	wrdreg s5  }
0xaa: {  	[dreg:$0x4] =	wrdreg $0xC0  }
0xab: {  	_ =	task [dreg:s7], $0x5FFFF  }
0xac: {  	[dreg:$0x1] =	wrdreg $0xFFFFFFFF  }
0xad: {  	[dreg:$0x0] =	wrdreg $0x60  }
0xae: {  	[dreg:$0x2] =	wrdreg s24  }
0xaf: {  	[dreg:$0x3] =	wrdreg s2  }
0xb0: {  	[dreg:$0x4] =	wrdreg $0x9  }
0xb1: {  	_ =	task.clear_ibuf [dreg:s7], $0x5FFFF;
	_ =	strace $0x90000049  }
0xb2: {  	s29 =	simm.s32 $0x9;
	_ =	strace $0x8000004B  }
0xb3: {  	_ =	swait.ge [sflag:s29], $0x1  }
0xb4: {  	[sflag:s29] =	ssyncadd.s32 $0xFFFFFFFF  }
0xb5: {  	_ =	strace $0x9000004B  }
0xb6: {  	_ =	sfence  }
0xb7: {  	s30 =	sld [smem:$0x0];
	_ =	sdelay $0x2  }
0xb8: {  	s31 =	sshll.u32 s1, $0xD;
	s1 =	sshrl.u32 s1, $0x2  }
0xb9: {  	s3 =	sand.u32 $0x4000, s31;
	s1 =	sadd.s32 s1, s30  }
0xba: {  	s0 =	sor.u32 s3, s0;
	s1 =	sshll.u32 s1, $0x11  }
0xbb: {  	s0 =	sor.u32 s1, s0  }
0xbc: {  	s0 =	sadd.s32 $0x8F2B, s0  }
0xbd: {  	[sflag:s0] =	ssyncadd.remote.s32 $0x1  }
0xbe: {  	_ =	sfence.sel $0xFFFF  }
0xbf: {  	[dreg:$0x0] =	wrdreg $0xFFFFFFFF;
	(pc) =	sbr.abs _section_cstart, $3  }
0xc0: {  	[dreg:$0x1] =	wrdreg $0xFFFFFFFF  }
0xc1: {  	_ =	task.clear_ibuf [dreg:s7], $0x2FFFF;
	_ =	strace $0x9FFFFFFF  }
0xc2: {  	(tm) =	ssettm $0x7FFFFFFF  }
0xc3: {  	_ =	shalt  }
tec
execute0_lowered:
.L_overlay_start_1:
0x0: {  	(tag) =	ssettag $0x1  }
0x1: {  	s0 =	rddreg [dreg:$0x0]  }
0x2: {  	s1 =	rddreg [dreg:$0x1];
	s2 =	simm.s32 $0x0;
	s24 =	srdreg.scid  }
0x3: {  	s6 =	stileid.u32;
	s10 =	simm.s32 $0x2;
	s11 =	simm.s32 $0x64  }
0x4: {  	s12 =	simm.s32 $0x340;
	s13 =	simm.s32 $0x68;
	s14 =	simm.s32 $0x1C40  }
0x5: {  	s15 =	simm.s32 $0xD0;
	s16 =	simm.s32 $0x3540;
	s17 =	simm.s32 $0x138  }
0x6: {  	s18 =	simm.s32 $0x4E40;
	s19 =	simm.s32 $0x1A0;
	s20 =	simm.s32 $0x6740  }
0x7: {  	s21 =	simm.s32 $0x208;
	s22 =	simm.s32 $0x8040;
	s23 =	simm.s32 $0x270  }
0x8: {  	s28 =	simm.s32 $0x1;
	s29 =	simm.s32 $0x40;
	s30 =	simm.s32 $0x80  }
0x9: {  	s31 =	simm.s32 $0x0;
	[smem:$0x7FF] =	sst s2;
	s2 =	sand.u32 $0x1, s24  }
0xa: {  	s4 =	sadd.s32 $0xF43C00, s0;
	s5 =	sadd.s32 $0xF43400, s0;
	s7 =	sshll.u32 s6, $0x1  }
0xb: {  	s6 =	sadd.s32 $0x1000, s0;
	s24 =	simm.s32 $0x9940;
	s3 =	ssub.s32 $0x2, s2  }
0xc: {  	_ =	strace $0x8000004A;
	s2 =	sor.u32 s2, s7;
	s25 =	sshrl.u32 s3, $0x1  }
0xd: {  	[dreg:$0x3] =	wrdreg s5;
	s7 =	smul.u32 $0x6400, s2;
	s26 =	ssub.s32 s3, s25  }
0xe: {  	s25 =	simm.s32 $0x2D8;
	s8 =	smax.u32 s26, $0x1;
	s26 =	simm.s32 $0xB240  }
.LBB2_1:
0xf: {  	s0 =	simm.s32 $0x0;
	s2 =	rddreg [dreg:$0x3];
	s3 =	simm.s32 $0xCB40  }
0x10: {  	[tilespmem:s3], [sflag:$0x2] =	stream.linear.gather [hbm4b:s2+s0], $0x3200, $0x38;
	[tilespmem:$0xFD40] =	vst v63  }
0x11: {  	_ =	swait.ge [sflag:s10], $0x3200  }
0x12: {  	[sflag:s10] =	ssyncset.done $0x0  }
0x13: {  	s0 =	simm.s32 $0x0;
	[sflag:s10] =	ssyncadd.s32 $0xFFFFCE00  }
.LBB2_2:
0x14: {  	s2 =	smul.u32 $0x320, s0;
	_ =	sdelay $0x1  }
0x15: {  	s3 =	sadd.s32 s7, s2  }
0x16: {  	s2 =	smulhi.u32 $0x51EB851F, s3;
	_ =	sdelay $0x1  }
0x17: {  	s2 =	sshrl.u32 s2, $0x5  }
0x18: {  	s2 =	smul.u32 $0xD, s2;
	_ =	sdelay $0x1  }
0x19: {  	s5 =	simm.s32 $0x0;
	s2 =	sadd.s32 s1, s2  }
0x1a: {  	[tilespmem:s5], [sflag:$0x2] =	stream.linear.gather [hbm4b:s2+s5], $0x340, $0x38;
	[tilespmem:$0xFD40] =	vst v63  }
0x1b: {  	_ =	swait.ge [sflag:s10], $0x340  }
0x1c: {  	[sflag:s10] =	ssyncset.done $0x0  }
0x1d: {  	[sflag:s10] =	ssyncadd.s32 $0xFFFFFCC0  }
0x1e: {  	[tilespmem:s12], [sflag:$0x1] =	stream.indirect.gather [hbm4b:s4+s11], $0x40, s5, s11, $0xb8;
	[tilespmem:$0xFD40] =	vst v63  }
0x1f: {  	_ = 	snop  }
0x20: {  	[tilespmem:s14], [sflag:$0x1] =	stream.indirect.gather [hbm4b:s4+s11], $0x40, s13, s11, $0xb8;
	[tilespmem:$0xFD40] =	vst v63  }
0x21: {  	_ = 	snop  }
0x22: {  	[tilespmem:s16], [sflag:$0x1] =	stream.indirect.gather [hbm4b:s4+s11], $0x40, s15, s11, $0xb8;
	[tilespmem:$0xFD40] =	vst v63  }
0x23: {  	_ = 	snop  }
0x24: {  	[tilespmem:s18], [sflag:$0x1] =	stream.indirect.gather [hbm4b:s4+s11], $0x40, s17, s11, $0xb8;
	[tilespmem:$0xFD40] =	vst v63  }
0x25: {  	_ = 	snop  }
0x26: {  	[tilespmem:s20], [sflag:$0x1] =	stream.indirect.gather [hbm4b:s4+s11], $0x40, s19, s11, $0xb8;
	[tilespmem:$0xFD40] =	vst v63  }
0x27: {  	_ = 	snop  }
0x28: {  	[tilespmem:s22], [sflag:$0x1] =	stream.indirect.gather [hbm4b:s4+s11], $0x40, s21, s11, $0xb8;
	[tilespmem:$0xFD40] =	vst v63  }
0x29: {  	_ = 	snop  }
0x2a: {  	[tilespmem:s24], [sflag:$0x1] =	stream.indirect.gather [hbm4b:s4+s11], $0x40, s23, s11, $0xb8;
	[tilespmem:$0xFD40] =	vst v63  }
0x2b: {  	_ = 	snop  }
0x2c: {  	[tilespmem:s26], [sflag:$0x1] =	stream.indirect.gather [hbm4b:s4+s11], $0x40, s25, s11, $0xb8;
	[tilespmem:$0xFD40] =	vst v63  }
0x2d: {  	_ =	swait.ge [sflag:s28], $0x1900  }
0x2e: {  	[sflag:s28] =	ssyncset.done $0x0  }
0x2f: {  	[sflag:s28] =	ssyncadd.s32 $0xFFFFE700  }
0x30: {  	_ =	swait.ge [sflag:s28], $0x1900  }
0x31: {  	[sflag:s28] =	ssyncset.done $0x0  }
0x32: {  	[sflag:s28] =	ssyncadd.s32 $0xFFFFE700  }
0x33: {  	_ =	swait.ge [sflag:s28], $0x1900  }
0x34: {  	[sflag:s28] =	ssyncset.done $0x0  }
0x35: {  	[sflag:s28] =	ssyncadd.s32 $0xFFFFE700  }
0x36: {  	_ =	swait.ge [sflag:s28], $0x1900  }
0x37: {  	[sflag:s28] =	ssyncset.done $0x0  }
0x38: {  	[sflag:s28] =	ssyncadd.s32 $0xFFFFE700  }
0x39: {  	_ =	swait.ge [sflag:s28], $0x1900  }
0x3a: {  	[sflag:s28] =	ssyncset.done $0x0  }
0x3b: {  	[sflag:s28] =	ssyncadd.s32 $0xFFFFE700  }
0x3c: {  	_ =	swait.ge [sflag:s28], $0x1900  }
0x3d: {  	[sflag:s28] =	ssyncset.done $0x0  }
0x3e: {  	[sflag:s28] =	ssyncadd.s32 $0xFFFFE700  }
0x3f: {  	_ =	swait.ge [sflag:s28], $0x1900  }
0x40: {  	[sflag:s28] =	ssyncset.done $0x0  }
0x41: {  	[sflag:s28] =	ssyncadd.s32 $0xFFFFE700  }
0x42: {  	_ =	swait.ge [sflag:s28], $0x1900  }
0x43: {  	[sflag:s28] =	ssyncset.done $0x0  }
0x44: {  	s2 =	simm.s32 $0x0;
	[sflag:s28] =	ssyncadd.s32 $0xFFFFE700  }
0x45: {  	v0 =	vld [tilespmem:s2+$0xCB70]  }
0x46: {  	v1 =	vld [tilespmem:s2+$0xCB40];
	_ =	sdelay $0x1  }
0x47: {  	v2 =	vld [tilespmem:s2+$0xCB50]  }
0x48: {  	v3 =	vld [tilespmem:s2+$0xCB60]  }
0x49: {  	[tilespmem:s2+$0x9970] =	vst.add.f32.msk $0xffff, v0  }
0x4a: {  	[tilespmem:s2+$0x340] =	vst.add.f32.msk $0xffff, v1  }
0x4b: {  	[tilespmem:s2+$0x3540] =	vst.add.f32.msk $0xffff, v1  }
0x4c: {  	[tilespmem:s2+$0x6740] =	vst.add.f32.msk $0xffff, v1  }
0x4d: {  	[tilespmem:s2+$0x9940] =	vst.add.f32.msk $0xffff, v1  }
0x4e: {  	[tilespmem:s2+$0x350] =	vst.add.f32.msk $0xffff, v2  }
0x4f: {  	[tilespmem:s2+$0x3550] =	vst.add.f32.msk $0xffff, v2  }
0x50: {  	[tilespmem:s2+$0x6750] =	vst.add.f32.msk $0xffff, v2  }
0x51: {  	[tilespmem:s2+$0x9950] =	vst.add.f32.msk $0xffff, v2  }
0x52: {  	[tilespmem:s2+$0x360] =	vst.add.f32.msk $0xffff, v3  }
0x53: {  	[tilespmem:s2+$0x3560] =	vst.add.f32.msk $0xffff, v3  }
0x54: {  	[tilespmem:s2+$0x6760] =	vst.add.f32.msk $0xffff, v3  }
0x55: {  	[tilespmem:s2+$0x9960] =	vst.add.f32.msk $0xffff, v3  }
0x56: {  	[tilespmem:s2+$0x370] =	vst.add.f32.msk $0xffff, v0  }
0x57: {  	s9 =	simm.s32 $0x200;
	s5 =	simm.s32 $0x40;
	[tilespmem:s2+$0x3570] =	vst.add.f32.msk $0xffff, v0  }
.LBB2_3:
0x58: {  	p0 =	sne.s32 s9, $0xC700;
	v1 =	vld [tilespmem:s5+$0xCB70]  }
0x59: {  	v2 =	vld [tilespmem:s5+$0xCB40]  }
0x5a: {  	v3 =	vld [tilespmem:s5+$0xCB50]  }
0x5b: {  	v4 =	vld [tilespmem:s5+$0xCB60]  }
0x5c: {  	[tilespmem:s2+$0x6770] =	vst.add.f32.msk $0xffff, v0;
	s2 =	smov.u32 s5  }
0x5d: {  	[tilespmem:s2+$0x9970] =	vst.add.f32.msk $0xffff, v1;
	v0 =	vmov v1  }
0x5e: {  	[tilespmem:s2+$0x340] =	vst.add.f32.msk $0xffff, v2  }
0x5f: {  	[tilespmem:s2+$0x3540] =	vst.add.f32.msk $0xffff, v2  }
0x60: {  	[tilespmem:s2+$0x6740] =	vst.add.f32.msk $0xffff, v2  }
0x61: {  	[tilespmem:s2+$0x9940] =	vst.add.f32.msk $0xffff, v2  }
0x62: {  	[tilespmem:s2+$0x350] =	vst.add.f32.msk $0xffff, v3  }
0x63: {  	[tilespmem:s2+$0x3550] =	vst.add.f32.msk $0xffff, v3  }
0x64: {  	[tilespmem:s2+$0x6750] =	vst.add.f32.msk $0xffff, v3  }
0x65: {  	[tilespmem:s2+$0x9950] =	vst.add.f32.msk $0xffff, v3  }
0x66: {  	[tilespmem:s2+$0x360] =	vst.add.f32.msk $0xffff, v4  }
.Ltmp0:
0x67: {  	[tilespmem:s2+$0x3560] =	vst.add.f32.msk $0xffff, v4;
	(pc) =	sbr.rel @p0 .LBB2_3-.Ltmp0, $4  }
0x68: {  	[tilespmem:s2+$0x6760] =	vst.add.f32.msk $0xffff, v4  }
0x69: {  	[tilespmem:s2+$0x9960] =	vst.add.f32.msk $0xffff, v4  }
0x6a: {  	[tilespmem:s2+$0x370] =	vst.add.f32.msk $0xffff, v0  }
0x6b: {  	s5 =	sshra.s32 s9, $0x2;
	s9 =	sadd.s32 $0x100, s9;
	[tilespmem:s2+$0x3570] =	vst.add.f32.msk $0xffff, v0  }
0x6c: {  	v1 =	vld [tilespmem:s5+$0xCB70]  }
0x6d: {  	v2 =	vld [tilespmem:s5+$0xCB40]  }
0x6e: {  	v3 =	vld [tilespmem:s5+$0xCB50]  }
0x6f: {  	v4 =	vld [tilespmem:s5+$0xCB60]  }
0x70: {  	[tilespmem:s2+$0x6770] =	vst.add.f32.msk $0xffff, v0  }
0x71: {  	[tilespmem:s5+$0x9970] =	vst.add.f32.msk $0xffff, v1  }
0x72: {  	[tilespmem:s5+$0x340] =	vst.add.f32.msk $0xffff, v2  }
0x73: {  	[tilespmem:s5+$0x3540] =	vst.add.f32.msk $0xffff, v2  }
0x74: {  	[tilespmem:s5+$0x6740] =	vst.add.f32.msk $0xffff, v2  }
0x75: {  	[tilespmem:s5+$0x9940] =	vst.add.f32.msk $0xffff, v2  }
0x76: {  	[tilespmem:s5+$0x350] =	vst.add.f32.msk $0xffff, v3  }
0x77: {  	[tilespmem:s5+$0x3550] =	vst.add.f32.msk $0xffff, v3  }
0x78: {  	[tilespmem:s5+$0x6750] =	vst.add.f32.msk $0xffff, v3  }
0x79: {  	[tilespmem:s5+$0x9950] =	vst.add.f32.msk $0xffff, v3  }
0x7a: {  	[tilespmem:s5+$0x360] =	vst.add.f32.msk $0xffff, v4  }
0x7b: {  	[tilespmem:s5+$0x3560] =	vst.add.f32.msk $0xffff, v4  }
0x7c: {  	[tilespmem:s5+$0x6760] =	vst.add.f32.msk $0xffff, v4  }
0x7d: {  	[tilespmem:s5+$0x9960] =	vst.add.f32.msk $0xffff, v4  }
0x7e: {  	s0 =	sadd.s32 $0x1, s0;
	[tilespmem:s5+$0x370] =	vst.add.f32.msk $0xffff, v1  }
0x7f: {  	s9 =	sshll.u32 s3, $0x4;
	p0 =	sne.s32 s0, $0x20;
	[tilespmem:s5+$0x3570] =	vst.add.f32.msk $0xffff, v1  }
.Ltmp1:
0x80: {  	s2 =	sadd.s32 s6, s9;
	[tilespmem:s5+$0x6770] =	vst.add.f32.msk $0xffff, v1;
	(pc) =	sbr.rel @p0 .LBB2_2-.Ltmp1, $4  }
0x81: {  	[hbm4b:s2+s29] =	stream.strided.scatter [tilespmem:s12], [sflag:$0x2], $0xC800, s30, s29, $0x38;
	[tilespmem:$0xFD40] =	vst v63  }
0x82: {  	_ =	swait.ge [sflag:s10], $0xC800  }
0x83: {  	[sflag:s10] =	ssyncset.done $0x0  }
0x84: {  	[sflag:s10] =	ssyncadd.s32 $0xFFFF3800  }
0x85: {  	s31 =	sadd.s32 $0x1, s31  }
0x86: {  	p0 =	sne.s32 s31, s8  }
.Ltmp2:
0x87: {  	_ = 	snop;
	(pc) =	sbr.rel @p0 .LBB2_1-.Ltmp2, $1  }
0x88: {  	_ =	sdelay $0x3  }
0x89: {  	_ =	sfence.sel $0x180000  }
0x8a: {  	[bflag:$0x0] =	sbarrier.arrive $0xFFFF  }
0x8b: {  	_ =	strace $0x9000004A  }
0x8c: {  	s0 =	stileid.u32;
	[bflag:$0x2] =	sbarrier.arrive $0xFFFF  }
0x8d: {  	p0 =	sne.s32 s0, $0x0;
	s0 =	rddreg [dreg:$0x2]  }
0x8e: {  	s0 =	sadd.s32 @!p0 $0x100000, s0  }
0x8f: {  	[sflag:s0] =	ssyncadd.tile.s32 @!p0 $0x1;
	_ =	shalt  }
.Lfunc_end2:
_tile_overlayer_lowered:
.L_overlay_start_2:
0x90: {  	(tag) =	ssettag $0x2  }
0x91: {  	s0 =	rddreg [dreg:$0x0];
	s2 =	stileid.u32  }
0x92: {  	s1 =	rddreg [dreg:$0x1];
	p0 =	sne.s32 s2, $0x0  }
0x93: {  	s3 =	rddreg [dreg:$0x2];
	[bflag:$0x3] =	sbarrier.arrive $0xFFFF;
	s2 =	simm.s32 @!p0 $0x1C02  }
0x94: {  	[timem:s3], [sflag:s2] =	dma.local @!p0 [hbm:s0], s1  }
0x95: {  	s0 =	simm.s32 @!p0 $0x2  }
0x96: {  	_ =	swait.ge @!p0 [sflag:s0], s1  }
0x97: {  	s1 =	ssub.s32 @!p0 $0x0, s1;
	[sflag:s0] =	ssyncset.done @!p0 $0x0  }
0x98: {  	[sflag:s0] =	ssyncadd.s32 @!p0 s1  }
0x99: {  	[bflag:$0x3] =	sbarrier.arrive $0xFFFF  }
0x9a: {  	_ =	shalt  }

// kernel: sparse-core-data-format-call.1.cloned.1.call-start
scs
called_computation.1_lowered:
.L_overlay_start_0:
0x0: {  	s2 =	sld [smem:$0x3FD9]  }
0x1: {  	s3 =	sld [smem:$0x3FFE];
	_ =	sdelay $0x1  }
0x2: {  	s1 =	srdreg.scid  }
0x3: {  	s0 =	sand.u32 $0x1, s1  }
0x4: {  	s18 =	sshll.u32 s0, $0xA;
	s2 =	sadd.s32 s3, s2  }
0x5: {  	s2 =	sadd.s32 s2, s18  }
0x6: {  	[smem:$0x3FC5] =	sst s2  }
0x7: {  	_ = 	snop  }
0x8: {  	s2 =	sld [smem:$0x3FC8];
	(tm) =	ssettm $0x1  }
0x9: {  	s19 =	sld [smem:$0x3FFB];
	_ =	sdelay $0x3  }
0xa: {  	_ =	strace s19  }
0xb: {  	s3 =	sld [smem:$0x3FFC];
	_ =	sdelay $0x3  }
0xc: {  	_ =	strace s3  }
0xd: {  	s3 =	sld [smem:$0x3FFD];
	_ =	sdelay $0x3  }
0xe: {  	_ =	strace s3  }
0xf: {  	_ =	strace $0x8FFFFFFF  }
0x10: {  	s20 =	sld [smem:$0x3FDB];
	_ =	sdelay $0x1  }
0x11: {  	s4 =	simm.s32 $_scs_section_size  }
0x12: {  	s5 =	simm.s32 $_size__tile_overlayer_lowered;
	s6 =	simm.s32 $_tile_overlayer_lowered  }
0x13: {  	s23 =	simm.s32 $0x1BFF;
	s22 =	sshll.u32 s6, $0x1;
	s3 =	sadd.s32 s4, s20  }
0x14: {  	s7 =	simm.s32 $0x0;
	s21 =	sshll.u32 s5, $0x1;
	s5 =	sadd.s32 s22, s3  }
0x15: {  	[timem:s7], [sflag:s23] =	dma.local [hbm:s5], s21  }
0x16: {  	_ =	swait.ge [sflag:s23], s21  }
0x17: {  	s4 =	ssub.s32 $0x0, s21;
	[sflag:s23] =	ssyncset.done $0x0  }
0x18: {  	[sflag:s23] =	ssyncadd.s32 s4;
	_ =	sdelay $0x1  }
0x19: {  	s24 =	simm.s32 $0x1B8B  }
0x1a: {  	_ =	swait.ge [sflag:s24], $0x1  }
0x1b: {  	[sflag:s24] =	ssyncset.done $0x0  }
0x1c: {  	s26 =	simm.s32 $0x1B8E;
	s25 =	sld [smem:$0x3FFE];
	[sflag:s24] =	ssyncadd.s32 $0xFFFFFFFF  }
0x1d: {  	s27 =	simm.s32 $execute0_lowered;
	[smem:$0x3FD2] =	sst s26  }
0x1e: {  	s5 =	sshll.u32 s27, $0x1;
	_ =	strace $0x80000046;
	[dreg:$0x1] =	wrdreg $0xFFFFFFFF  }
0x1f: {  	s28 =	simm.s32 $_size_execute0_lowered;
	s3 =	sadd.s32 s3, s5;
	[dreg:$0x0] =	wrdreg $0x0  }
0x20: {  	s5 =	sshll.u32 s28, $0x1;
	[dreg:$0x2] =	wrdreg s3  }
0x21: {  	[dreg:$0x3] =	wrdreg s5  }
0x22: {  	[dreg:$0x4] =	wrdreg $0xC0  }
0x23: {  	_ =	task [dreg:s7], $0x5FFFF  }
0x24: {  	[dreg:$0x1] =	wrdreg $0xFFFFFFFF  }
0x25: {  	[dreg:$0x0] =	wrdreg $0x60  }
0x26: {  	[dreg:$0x2] =	wrdreg s2  }
0x27: {  	[dreg:$0x3] =	wrdreg s25  }
0x28: {  	[dreg:$0x4] =	wrdreg $0x9  }
0x29: {  	_ =	task.clear_ibuf [dreg:s7], $0x5FFFF;
	_ =	strace $0x90000046  }
0x2a: {  	s29 =	simm.s32 $0x9;
	_ =	strace $0x80000048  }
0x2b: {  	_ =	swait.ge [sflag:s29], $0x1  }
0x2c: {  	[sflag:s29] =	ssyncadd.s32 $0xFFFFFFFF  }
0x2d: {  	_ =	strace $0x90000048  }
0x2e: {  	_ =	sfence  }
0x2f: {  	s30 =	sld [smem:$0x0];
	_ =	sdelay $0x2  }
0x30: {  	s31 =	sshll.u32 s1, $0xD;
	s1 =	sshrl.u32 s1, $0x2  }
0x31: {  	s3 =	sand.u32 $0x4000, s31;
	s1 =	sadd.s32 s1, s30  }
0x32: {  	s0 =	sor.u32 s3, s0;
	s1 =	sshll.u32 s1, $0x11  }
0x33: {  	s0 =	sor.u32 s1, s0  }
0x34: {  	s0 =	sadd.s32 $0x8F2B, s0  }
0x35: {  	[sflag:s0] =	ssyncadd.remote.s32 $0x1  }
0x36: {  	_ =	sfence.sel $0xFFFF  }
0x37: {  	[dreg:$0x0] =	wrdreg $0xFFFFFFFF;
	(pc) =	sbr.abs _section_cstart, $3  }
0x38: {  	[dreg:$0x1] =	wrdreg $0xFFFFFFFF  }
0x39: {  	_ =	task.clear_ibuf [dreg:s7], $0x2FFFF;
	_ =	strace $0x9FFFFFFF  }
0x3a: {  	(tm) =	ssettm $0x7FFFFFFF  }
0x3b: {  	_ =	shalt  }
tec
execute0_lowered:
.L_overlay_start_1:
0x0: {  	(tag) =	ssettag $0x1  }
0x1: {  	s0 =	srdreg.scid;
	s2 =	rddreg [dreg:$0x0]  }
0x2: {  	s5 =	rddreg [dreg:$0x1];
	s1 =	stileid.u32  }
0x3: {  	s4 =	simm.s32 $0x1;
	s6 =	simm.s32 $0x2;
	s15 =	simm.s32 $0x0  }
0x4: {  	p0 =	por $0x0, $0x0;
	s8 =	simm.s32 $0x80;
	s0 =	sshll.u32 s0, $0x4  }
0x5: {  	s14 =	simm.s32 $0x0;
	s9 =	simm.s32 $0x0;
	s3 =	sand.u32 $0x10, s0  }
.Ltmp0:
0x6: {  	s10 =	simm.s32 $0x0;
	s3 =	sor.u32 s1, s3;
	(pc) =	sbr.rel .LBB1_1-.Ltmp0, $4  }
0x7: {  	s0 =	rddreg [dreg:$0x2];
	_ =	strace $0x80000047;
	s3 =	sshll.u32 s3, $0x7  }
0x8: {  	s12 =	simm.s32 $0x0;
	[sflag:s4] =	ssyncpa.u1 $0x0;
	s7 =	ssub.s32 $0xF4200, s3  }
0x9: {  	s13 =	simm.s32 $0x0;
	[sflag:s6] =	ssyncpa.u1 $0x0;
	s6 =	sshrl.u32 s7, $0xC  }
0xa: {  	s5 =	sadd.s32 $0x1000, s5;
	s11 =	smov.u32 s3;
	s7 =	sadd.s32 $0x2, s6  }
.LBB1_5:
0xb: {  	p1 =	slt.u32 s13, $0x2  }
0xc: {  	s17 =	smov.u32 s15;
	p2 =	sgt.s32 @!p1 s15, $0xF41C0;
	s16 =	sshra.s32 @!p1 s15, $0x1F  }
0xd: {  	p3 =	sgt.s32 @!p1 s14, $0x40;
	s18 =	sshra.s32 @!p1 s14, $0x1F;
	p2 =	por !p2, p1  }
0xe: {  	s15 =	sand.u32 @!p1 s16, s15;
	p3 =	por !p3, p1;
	s16 =	smov.u32 s14  }
0xf: {  	s14 =	sand.u32 @!p1 s18, s14;
	s17 =	simm.s32 @p2 $0xF41C0;
	s16 =	simm.s32 @p3 $0x40  }
0x10: {  	s15 =	ssub.s32 @!p1 s17, s15;
	s14 =	ssub.s32 @!p1 s16, s14  }
0x11: {  	s18 =	smov.u32 s12;
	s16 =	sadd.s32 @!p1 $0xFFF0BE40, s15;
	s17 =	sadd.s32 @!p1 $0xFFFFFFC0, s14  }
0x12: {  	s15 =	ssub.s32 @!p1 $0xF4240, s15;
	p2 =	sgt.s32 @!p1 s16, $0x7F;
	p3 =	sgt.s32 @!p1 s17, $0x3F  }
0x13: {  	s14 =	ssub.s32 @!p1 $0x80, s14;
	p2 =	por !p2, p1;
	p3 =	por !p3, p1  }
0x14: {  	s16 =	sadd.s32 $0x1000, s11;
	s15 =	simm.s32 @!p2 $0x0;
	s14 =	simm.s32 @!p3 $0x0  }
0x15: {  	p2 =	sgt.s32 s16, $0xF423F;
	s14 =	smul.u32 @!p1 s14, s15;
	s15 =	sadd.s32 $0x40, s12  }
0x16: {  	s18 =	smov.u32 @p2 s15  }
0x17: {  	s16 =	smov.u32 @p2 s3;
	p2 =	sgt.s32 s18, $0x3F  }
0x18: {  	s18 =	simm.s32 @p2 $0x0;
	p2 =	sne.s32 s13, s7  }
.Ltmp1:
0x19: {  	p0 =	por !p0, !p0;
	s17 =	simm.s32 @!p1 $0x2;
	(pc) =	sbr.rel @!p2 .LBB1_6-.Ltmp1, $4  }
0x1a: {  	s15 =	smov.u32 s9;
	s9 =	smov.u32 s11;
	s14 =	sand.u32 @!p1 $0x3FFFFFFF, s14  }
0x1b: {  	s11 =	smov.u32 s16;
	_ =	swait.ge @!p1 [sflag:s17], s14;
	s19 =	ssub.s32 @!p1 $0x0, s14  }
0x1c: {  	s14 =	smov.u32 s10;
	s13 =	sadd.s32 $0x1, s13;
	[sflag:s17] =	ssyncset.done @!p1 $0x0  }
0x1d: {  	s10 =	smov.u32 s12;
	s12 =	smov.u32 s18;
	[sflag:s17] =	ssyncadd.s32 @!p1 s19  }
.LBB1_1:
0x1e: {  	p1 =	sgt.u32 s13, s6  }
0x1f: {  	s16 =	sshrl.u32 @!p1 s12, $0x3  }
0x20: {  	s17 =	sshll.u32 @!p1 s11, $0x3;
	s16 =	smul.u32 @!p1 $0x7A1400, s16  }
0x21: {  	s18 =	sshll.u32 @!p1 s12, $0x7;
	s17 =	sand.u32 @!p1 $0xFFFFFC00, s17  }
0x22: {  	s16 =	sadd.s32 @!p1 s16, s17;
	s17 =	sand.u32 @!p1 $0x380, s18  }
0x23: {  	s18 =	sand.u32 @!p1 $0x7F, s11;
	s16 =	sor.u32 @!p1 s17, s16  }
0x24: {  	s17 =	sor.u32 @!p1 s18, s16  }
0x25: {  	s18 =	smulhi.u32 @!p1 $0x218D6287, s17;
	_ =	sdelay $0x1  }
0x26: {  	s16 =	smulhi.u32 @!p1 $0x218D6287, s16;
	s18 =	sshrl.u32 @!p1 s18, $0x11  }
0x27: {  	s18 =	smul.u32 @!p1 $0xF4280, s18  }
0x28: {  	s19 =	sxor.u32 @!p1 $0xFFFFFFFF, s13;
	s16 =	sshrl.u32 @!p1 s16, $0x11  }
0x29: {  	s19 =	sshll.u32 @!p1 s19, $0xD;
	s16 =	sand.u32 @!p1 $0x3F, s16;
	s17 =	ssub.s32 @!p1 s17, s18  }
0x2a: {  	s16 =	smul.u32 @!p1 $0x1E850, s16;
	s18 =	sshrl.u32 @!p1 s17, $0x3;
	s17 =	sand.u32 @!p1 $0x7, s17  }
0x2b: {  	s19 =	sand.u32 @!p1 $0x2000, s19;
	s18 =	sadd.s32 @!p1 s2, s18;
	s17 =	sshll.u32 @!p1 s17, $0x12  }
0x2c: {  	s16 =	sadd.s32 @!p1 s16, s18;
	s17 =	sor.u32 @!p1 $0x400, s17;
	s18 =	simm.s32 @!p1 $0x7A1400  }
0x2d: {  	[tilespmem:s19], [sflag:$0x1] =	stream.strided.gather @!p1 [hbm4b:s16+s17], $0x2000, s18, s17, $0x38;
	[tilespmem:$0x8100] =	vst v63  }
0x2e: {  	p1 =	seq.s32 s13, $0x0  }
0x2f: {  	p2 =	sge.u32 @!p1 s13, s7  }
0x30: {  	p1 =	por p1, p2  }
.Ltmp2:
0x31: {  	_ = 	snop;
	(pc) =	sbr.rel @p1 .LBB1_5-.Ltmp2, $1  }
0x32: {  	_ =	sdelay $0x3  }
0x33: {  	s16 =	simm.s32 $0x1  }
0x34: {  	_ =	swait.ge [sflag:s4], $0x2000;
	s16 =	simm.s32 @!p0 $0x0  }
0x35: {  	[sflag:s4] =	ssyncset.done $0x0;
	s17 =	sshll.u32 s16, $0xD  }
0x36: {  	[sflag:s4] =	ssyncadd.s32 $0xFFFFE000;
	s17 =	sor.u32 $0x40, s17  }
0x37: {  	s16 =	smul.u32 $0x8200, s16;
	v0 =	vld [tilespmem:s17+$0x30]  }
0x38: {  	v1 =	vld [tilespmem:s17+$0xFFFFFFD0]  }
0x39: {  	s16 =	sshrl.u32 s16, $0x2;
	v5 =	vld [tilespmem:s17+$0xFFFFFFE0]  }
0x3a: {  	v6 =	vld [tilespmem:s17+$0xFFFFFFF0];
	s19 =	sor.u32 $0x4000, s16  }
0x3b: {  	s31 =	sand.u32 $0x1, s13;
	v4 =	vld [tilespmem:s17+$0x0];
	s18 =	sadd.s32 $0x0, s19  }
0x3c: {  	v3 =	vld [tilespmem:s17+$0x10];
	s16 =	smul.u32 $0x8200, s31;
	[tilespmem:s18+$0x1C70 ss:$0x41] =	vst.msk $0xffff, v0  }
0x3d: {  	v2 =	vld [tilespmem:s17+$0x20];
	[tilespmem:s18+$0x410 ss:$0x41] =	vst.msk $0xffff, v1  }
0x3e: {  	s16 =	sshrl.u32 s16, $0x2;
	v1 =	vld [tilespmem:s17+$0xFFFFFFC0];
	[tilespmem:s18+$0x820 ss:$0x41] =	vst.msk $0xffff, v5;
	s17 =	sadd.s32 $0x80, s17  }
0x3f: {  	s20 =	simm.s32 $0x4;
	s21 =	simm.s32 $0x8;
	s16 =	sor.u32 $0x4000, s16;
	[tilespmem:s18+$0xC30 ss:$0x41] =	vst.msk $0xffff, v6;
	v0 =	vld [tilespmem:s17+$0x30]  }
.LBB1_3:
0x40: {  	p1 =	sne.s32 s21, $0xFC;
	v5 =	vld [tilespmem:s17+$0xFFFFFFD0];
	[tilespmem:s18+$0x1040 ss:$0x41] =	vst.msk $0xffff, v4  }
0x41: {  	v6 =	vld [tilespmem:s17+$0xFFFFFFE0];
	[tilespmem:s18+$0x1450 ss:$0x41] =	vst.msk $0xffff, v3  }
0x42: {  	s22 =	sshra.s32 s20, $0x2;
	s20 =	smov.u32 s21;
	v7 =	vld [tilespmem:s17+$0xFFFFFFF0];
	[tilespmem:s18+$0x1860 ss:$0x41] =	vst.msk $0xffff, v2  }
.Ltmp3:
0x43: {  	v4 =	vld [tilespmem:s17+$0x0];
	[tilespmem:s18+$0x0 ss:$0x41] =	vst.msk $0xffff, v1;
	s18 =	sadd.s32 s22, s19;
	(pc) =	sbr.rel @p1 .LBB1_3-.Ltmp3, $4  }
0x44: {  	v3 =	vld [tilespmem:s17+$0x10];
	[tilespmem:s18+$0x1C70 ss:$0x41] =	vst.msk $0xffff, v0  }
0x45: {  	[tilespmem:s18+$0x410 ss:$0x41] =	vst.msk $0xffff, v5;
	v2 =	vld [tilespmem:s17+$0x20]  }
0x46: {  	v1 =	vld [tilespmem:s17+$0xFFFFFFC0];
	[tilespmem:s18+$0x820 ss:$0x41] =	vst.msk $0xffff, v6;
	s17 =	sadd.s32 $0x80, s17  }
0x47: {  	s21 =	sadd.s32 $0x4, s21;
	v0 =	vld [tilespmem:s17+$0x30];
	[tilespmem:s18+$0xC30 ss:$0x41] =	vst.msk $0xffff, v7  }
0x48: {  	s21 =	sshll.u32 s9, $0x7;
	s22 =	sshll.u32 s10, $0x3;
	s20 =	sshra.s32 s20, $0x2  }
0x49: {  	p1 =	sgt.s32 s9, $0xF41C0;
	s30 =	sshra.s32 s9, $0x1F;
	s25 =	sshra.s32 s10, $0x1F  }
0x4a: {  	v5 =	vld [tilespmem:s17+$0xFFFFFFD0];
	s28 =	sshrl.u32 s10, $0x3;
	s23 =	sand.u32 $0xFFFFFC00, s21;
	s22 =	sand.u32 $0xFFFFFC00, s22  }
0x4b: {  	[tilespmem:s18+$0x1040 ss:$0x41] =	vst.msk $0xffff, v4;
	v58 =	vld [tilespmem:s17+$0xFFFFFFE0];
	s21 =	sand.u32 $0x380, s21;
	s19 =	sadd.s32 s20, s19;
	s22 =	sadd.s32 s22, s23  }
0x4c: {  	v59 =	vld [tilespmem:s17+$0xFFFFFFF0];
	[tilespmem:s18+$0x1450 ss:$0x41] =	vst.msk $0xffff, v3;
	s29 =	sor.u32 s21, s22;
	s21 =	smov.u32 s9;
	s22 =	sand.u32 s30, s9  }
0x4d: {  	v60 =	vld [tilespmem:s17+$0x0];
	[tilespmem:s18+$0x1860 ss:$0x41] =	vst.msk $0xffff, v2;
	s30 =	sand.u32 $0x7, s10;
	s20 =	sshrl.u32 s29, $0x7;
	s21 =	simm.s32 @!p1 $0xF41C0  }
0x4e: {  	v61 =	vld [tilespmem:s17+$0x10];
	[tilespmem:s18+$0x0 ss:$0x41] =	vst.msk $0xffff, v1;
	p1 =	sgt.s32 s10, $0x40;
	s24 =	ssub.s32 s21, s22;
	s21 =	smov.u32 s10  }
0x4f: {  	v62 =	vld [tilespmem:s17+$0x20];
	[tilespmem:s19+$0x1C70 ss:$0x41] =	vst.msk $0xffff, v0;
	s31 =	smulhi.u32 $0x218DEF5, s20;
	s22 =	sand.u32 s25, s10;
	s21 =	simm.s32 @!p1 $0x40  }
0x50: {  	v63 =	vld [tilespmem:s17+$0xFFFFFFC0];
	[tilespmem:s19+$0x410 ss:$0x41] =	vst.msk $0xffff, v5;
	s26 =	sadd.s32 $0xFFF0BE40, s24;
	s17 =	ssub.s32 $0xF4240, s24;
	s21 =	ssub.s32 s21, s22  }
0x51: {  	[tilespmem:s19+$0x820 ss:$0x41] =	vst.msk $0xffff, v58;
	s23 =	sshrl.u32 s31, $0xD;
	p1 =	sgt.s32 s26, $0x7F;
	s27 =	sadd.s32 $0xFFFFFFC0, s21  }
0x52: {  	[tilespmem:s19+$0xC30 ss:$0x41] =	vst.msk $0xffff, v59;
	s23 =	smul.u32 $0xF4240, s23;
	s18 =	ssub.s32 $0x80, s21;
	p2 =	sgt.s32 s27, $0x3F  }
.Ltmp4:
0x53: {  	[tilespmem:s19+$0x1040 ss:$0x41] =	vst.msk $0xffff, v60;
	s17 =	simm.s32 @p1 $0x0;
	s18 =	simm.s32 @p2 $0x0;
	(pc) =	sbr.rel .LBB1_5-.Ltmp4, $4  }
0x54: {  	s29 =	sand.u32 $0xF, s28;
	[tilespmem:s19+$0x1450 ss:$0x41] =	vst.msk $0xffff, v61;
	s20 =	ssub.s32 s20, s23;
	s17 =	smul.u32 s18, s17  }
0x55: {  	[tilespmem:s19+$0x1860 ss:$0x41] =	vst.msk $0xffff, v62;
	s21 =	sshll.u32 s30, $0x12;
	s20 =	sshll.u32 s20, $0x4;
	s18 =	sadd.s32 s5, s29  }
0x56: {  	[tilespmem:s19+$0x0 ss:$0x41] =	vst.msk $0xffff, v63;
	s31 =	sor.u32 $0x40, s21;
	s18 =	sadd.s32 s20, s18;
	s17 =	sand.u32 $0x3FFFFFFF, s17  }
0x57: {  	[hbm4b:s18+s31] =	stream.strided.scatter [tilespmem:s16], [sflag:$0x2], s17, s8, s31, $0x18;
	[tilespmem:$0x8100] =	vst v63  }
.LBB1_6:
0x58: {  	_ =	sfence.sel $0x180000  }
0x59: {  	s2 =	simm.s32 $0x1;
	[bflag:$0x0] =	sbarrier.arrive $0xFFFF  }
0x5a: {  	s31 =	simm.s32 $0x2;
	[sflag:s2] =	ssyncpa.u1 $0x1  }
0x5b: {  	[sflag:s31] =	ssyncpa.u1 $0x1  }
0x5c: {  	p0 =	sne.s32 s1, $0x0;
	_ =	strace $0x90000047  }
0x5d: {  	s0 =	sadd.s32 @!p0 $0x100000, s0;
	[bflag:$0x2] =	sbarrier.arrive $0xFFFF  }
0x5e: {  	[sflag:s0] =	ssyncadd.tile.s32 @!p0 $0x1;
	_ =	shalt  }
.Lfunc_end1:
_tile_overlayer_lowered:
.L_overlay_start_2:
0x5f: {  	(tag) =	ssettag $0x2  }
0x60: {  	s0 =	rddreg [dreg:$0x0];
	s2 =	stileid.u32  }
0x61: {  	s1 =	rddreg [dreg:$0x1];
	p0 =	sne.s32 s2, $0x0  }
0x62: {  	s3 =	rddreg [dreg:$0x2];
	[bflag:$0x3] =	sbarrier.arrive $0xFFFF;
	s2 =	simm.s32 @!p0 $0x1C01  }
0x63: {  	[timem:s3], [sflag:s2] =	dma.local @!p0 [hbm:s0], s1  }
0x64: {  	s0 =	simm.s32 @!p0 $0x1  }
0x65: {  	_ =	swait.ge @!p0 [sflag:s0], s1  }
0x66: {  	s1 =	ssub.s32 @!p0 $0x0, s1;
	[sflag:s0] =	ssyncset.done @!p0 $0x0  }
0x67: {  	[sflag:s0] =	ssyncadd.s32 @!p0 s1  }
0x68: {  	[bflag:$0x3] =	sbarrier.arrive $0xFFFF  }
0x69: {  	_ =	shalt  }

// kernel: sparse-core-data-format-call.cloned.1.call-start
scs
called_computation_lowered:
.L_overlay_start_0:
0x0: {  	s2 =	sld [smem:$0x3FD9]  }
0x1: {  	s3 =	sld [smem:$0x3FFE];
	_ =	sdelay $0x1  }
0x2: {  	s1 =	srdreg.scid  }
0x3: {  	s0 =	sand.u32 $0x1, s1  }
0x4: {  	s18 =	sshll.u32 s0, $0xA;
	s2 =	sadd.s32 s3, s2  }
0x5: {  	s2 =	sadd.s32 s2, s18  }
0x6: {  	[smem:$0x3FC5] =	sst s2  }
0x7: {  	_ = 	snop  }
0x8: {  	s2 =	sld [smem:$0x3FD0];
	(tm) =	ssettm $0x1  }
0x9: {  	s19 =	sld [smem:$0x3FFB];
	_ =	sdelay $0x3  }
0xa: {  	_ =	strace s19  }
0xb: {  	s3 =	sld [smem:$0x3FFC];
	_ =	sdelay $0x3  }
0xc: {  	_ =	strace s3  }
0xd: {  	s3 =	sld [smem:$0x3FFD];
	_ =	sdelay $0x3  }
0xe: {  	_ =	strace s3  }
0xf: {  	_ =	strace $0x8FFFFFFF  }
0x10: {  	s20 =	sld [smem:$0x3FDB];
	_ =	sdelay $0x1  }
0x11: {  	s4 =	simm.s32 $_scs_section_size  }
0x12: {  	s5 =	simm.s32 $_size__tile_overlayer_lowered;
	s6 =	simm.s32 $_tile_overlayer_lowered  }
0x13: {  	s23 =	simm.s32 $0x1BFF;
	s22 =	sshll.u32 s6, $0x1;
	s3 =	sadd.s32 s4, s20  }
0x14: {  	s7 =	simm.s32 $0x0;
	s21 =	sshll.u32 s5, $0x1;
	s5 =	sadd.s32 s22, s3  }
0x15: {  	[timem:s7], [sflag:s23] =	dma.local [hbm:s5], s21  }
0x16: {  	_ =	swait.ge [sflag:s23], s21  }
0x17: {  	s4 =	ssub.s32 $0x0, s21;
	[sflag:s23] =	ssyncset.done $0x0  }
0x18: {  	[sflag:s23] =	ssyncadd.s32 s4;
	_ =	sdelay $0x1  }
0x19: {  	s24 =	simm.s32 $0x1B8B  }
0x1a: {  	_ =	swait.ge [sflag:s24], $0x1  }
0x1b: {  	[sflag:s24] =	ssyncset.done $0x0  }
0x1c: {  	s26 =	simm.s32 $0x1B8E;
	s25 =	sld [smem:$0x3FFE];
	[sflag:s24] =	ssyncadd.s32 $0xFFFFFFFF  }
0x1d: {  	s27 =	simm.s32 $execute0_lowered;
	[smem:$0x3FD2] =	sst s26  }
0x1e: {  	s5 =	sshll.u32 s27, $0x1;
	_ =	strace $0x8000004C;
	[dreg:$0x1] =	wrdreg $0xFFFFFFFF  }
0x1f: {  	s28 =	simm.s32 $_size_execute0_lowered;
	s3 =	sadd.s32 s3, s5;
	[dreg:$0x0] =	wrdreg $0x0  }
0x20: {  	s5 =	sshll.u32 s28, $0x1;
	[dreg:$0x2] =	wrdreg s3  }
0x21: {  	[dreg:$0x3] =	wrdreg s5  }
0x22: {  	[dreg:$0x4] =	wrdreg $0xC0  }
0x23: {  	_ =	task [dreg:s7], $0x5FFFF  }
0x24: {  	[dreg:$0x1] =	wrdreg $0xFFFFFFFF  }
0x25: {  	[dreg:$0x0] =	wrdreg $0x60  }
0x26: {  	[dreg:$0x2] =	wrdreg s25  }
0x27: {  	[dreg:$0x3] =	wrdreg s2  }
0x28: {  	[dreg:$0x4] =	wrdreg $0x9  }
0x29: {  	_ =	task.clear_ibuf [dreg:s7], $0x5FFFF;
	_ =	strace $0x9000004C  }
0x2a: {  	s29 =	simm.s32 $0x9;
	_ =	strace $0x8000004E  }
0x2b: {  	_ =	swait.ge [sflag:s29], $0x1  }
0x2c: {  	[sflag:s29] =	ssyncadd.s32 $0xFFFFFFFF  }
0x2d: {  	_ =	strace $0x9000004E  }
0x2e: {  	_ =	sfence  }
0x2f: {  	s30 =	sld [smem:$0x0];
	_ =	sdelay $0x2  }
0x30: {  	s31 =	sshll.u32 s1, $0xD;
	s1 =	sshrl.u32 s1, $0x2  }
0x31: {  	s3 =	sand.u32 $0x4000, s31;
	s1 =	sadd.s32 s1, s30  }
0x32: {  	s0 =	sor.u32 s3, s0;
	s1 =	sshll.u32 s1, $0x11  }
0x33: {  	s0 =	sor.u32 s1, s0  }
0x34: {  	s0 =	sadd.s32 $0x8F2B, s0  }
0x35: {  	[sflag:s0] =	ssyncadd.remote.s32 $0x1  }
0x36: {  	_ =	sfence.sel $0xFFFF  }
0x37: {  	[dreg:$0x0] =	wrdreg $0xFFFFFFFF;
	(pc) =	sbr.abs _section_cstart, $3  }
0x38: {  	[dreg:$0x1] =	wrdreg $0xFFFFFFFF  }
0x39: {  	_ =	task.clear_ibuf [dreg:s7], $0x2FFFF;
	_ =	strace $0x9FFFFFFF  }
0x3a: {  	(tm) =	ssettm $0x7FFFFFFF  }
0x3b: {  	_ =	shalt  }
tec
execute0_lowered:
.L_overlay_start_1:
0x0: {  	(tag) =	ssettag $0x1  }
0x1: {  	s0 =	srdreg.scid  }
0x2: {  	s1 =	sshll.u32 s0, $0x4  }
0x3: {  	s0 =	stileid.u32;
	s1 =	sand.u32 $0x10, s1  }
0x4: {  	s1 =	sor.u32 s0, s1  }
0x5: {  	s6 =	rddreg [dreg:$0x0];
	s4 =	simm.s32 $0x1;
	s2 =	sshll.u32 s1, $0x7  }
0x6: {  	s7 =	simm.s32 $0x2;
	s12 =	simm.s32 $0x0;
	s1 =	ssub.s32 $0x1000, s2  }
0x7: {  	s8 =	simm.s32 $0x8000;
	s13 =	simm.s32 $0x0;
	s3 =	sand.u32 $0xF80, s1  }
0x8: {  	s9 =	simm.s32 $0x0;
	s5 =	sshrl.u32 s1, $0xC;
	p0 =	sne.s32 s3, $0x0  }
.Ltmp0:
0x9: {  	s1 =	rddreg [dreg:$0x2];
	s4 =	simm.s32 @!p0 $0x0;
	(pc) =	sbr.rel .LBB1_1-.Ltmp0, $4  }
0xa: {  	s11 =	simm.s32 $0x0;
	s3 =	rddreg [dreg:$0x1];
	s5 =	sadd.s32 s4, s5  }
0xb: {  	_ =	strace $0x8000004D;
	s4 =	simm.s32 $0x1;
	s5 =	smul.u32 $0xC8, s5  }
0xc: {  	s6 =	sadd.s32 $0x1000, s6;
	s10 =	smov.u32 s2;
	[sflag:s4] =	ssyncpa.u1 $0x0  }
0xd: {  	p0 =	por $0x0, $0x0;
	[sflag:s7] =	ssyncpa.u1 $0x0;
	s7 =	sor.u32 $0x1, s5  }
.LBB1_4:
0xe: {  	s16 =	sshll.u32 s13, $0x3;
	s17 =	sand.u32 $0x78, s13  }
0xf: {  	s30 =	sand.u32 $0x7E00, s13;
	s12 =	sshll.u32 s12, $0xF;
	s16 =	sand.u32 $0xC00, s16  }
0x10: {  	[tilespmem:s15+$0x810 ss:$0x81] =	vst.msk $0xffff, v2;
	s31 =	sand.u32 $0x7, s13;
	s16 =	sor.u32 s17, s16;
	s17 =	sadd.s32 s3, s30  }
0x11: {  	[tilespmem:s15+$0x1020 ss:$0x81] =	vst.msk $0xffff, v0;
	s13 =	sshll.u32 s31, $0x12;
	s12 =	sadd.s32 s12, s17;
	s16 =	sshrl.u32 s16, $0x3  }
0x12: {  	[tilespmem:s15+$0x0 ss:$0x81] =	vst.msk $0xffff, v1;
	s13 =	sor.u32 $0x400, s13;
	s12 =	sadd.s32 s16, s12  }
0x13: {  	[hbm4b:s12+s13] =	stream.strided.scatter [tilespmem:s14], [sflag:$0x2], $0x2000, s8, s13, $0x20;
	[tilespmem:$0x8080] =	vst v63  }
.LBB1_5:
0x14: {  	s14 =	sadd.s32 $0x1, s9  }
0x15: {  	s12 =	sadd.s32 $0x1000, s10;
	s16 =	smov.u32 s10;
	p2 =	sgt.s32 s14, $0xC7  }
0x16: {  	s16 =	smov.u32 @p2 s12  }
0x17: {  	s14 =	simm.s32 @p2 $0x0;
	p2 =	sgt.s32 s16, $0xFFF  }
0x18: {  	s16 =	smov.u32 @p2 s2;
	p2 =	sne.s32 s11, s7  }
.Ltmp1:
0x19: {  	p1 =	slt.u32 s11, $0x2;
	(pc) =	sbr.rel @!p2 .LBB1_6-.Ltmp1, $4  }
0x1a: {  	s15 =	simm.s32 @!p1 $0x2  }
0x1b: {  	s13 =	smov.u32 s10;
	p0 =	por !p0, !p0;
	_ =	swait.ge @!p1 [sflag:s15], $0x2000  }
0x1c: {  	s12 =	smov.u32 s9;
	[sflag:s15] =	ssyncset.done @!p1 $0x0;
	s9 =	smov.u32 s14  }
0x1d: {  	s11 =	sadd.s32 $0x1, s11;
	[sflag:s15] =	ssyncadd.s32 @!p1 $0xFFFFE000;
	s10 =	smov.u32 s16  }
.LBB1_1:
0x1e: {  	p1 =	sge.u32 s11, s5  }
0x1f: {  	s14 =	sand.u32 @!p1 $0x1FFFFFF, s9  }
0x20: {  	s15 =	smulhi.u32 @!p1 $0x147AE15, s14;
	_ =	sdelay $0x1  }
0x21: {  	s15 =	smul.u32 @!p1 $0xC8, s15  }
0x22: {  	s16 =	sxor.u32 @!p1 $0xFFFFFFFF, s11;
	s17 =	smul.u32 @!p1 $0xC80, s10  }
0x23: {  	s31 =	sadd.s32 $0xFFFFFFFF, s11;
	s16 =	sshll.u32 @!p1 s16, $0xD;
	s14 =	ssub.s32 @!p1 s14, s15  }
0x24: {  	s15 =	sand.u32 @!p1 $0x2000, s16;
	s16 =	sadd.s32 @!p1 s6, s17;
	s14 =	sshll.u32 @!p1 s14, $0x4  }
0x25: {  	s17 =	simm.s32 @!p1 $0x6400;
	s14 =	sadd.s32 @!p1 s14, s16;
	s16 =	simm.s32 @!p1 $0x40  }
0x26: {  	[tilespmem:s15], [sflag:$0x1] =	stream.strided.gather @!p1 [hbm4b:s14+s16], $0x2000, s17, s16, $0x38;
	[tilespmem:$0x8080] =	vst v63  }
0x27: {  	p1 =	sge.u32 s31, s5  }
.Ltmp2:
0x28: {  	_ = 	snop;
	(pc) =	sbr.rel @p1 .LBB1_5-.Ltmp2, $1  }
0x29: {  	_ =	sdelay $0x3  }
0x2a: {  	s14 =	simm.s32 $0x1  }
0x2b: {  	_ =	swait.ge [sflag:s4], $0x2000;
	s14 =	simm.s32 @!p0 $0x0  }
0x2c: {  	[sflag:s4] =	ssyncset.done $0x0;
	s15 =	sshll.u32 s14, $0xD  }
0x2d: {  	[sflag:s4] =	ssyncadd.s32 $0xFFFFE000;
	s18 =	sor.u32 $0x20, s15  }
0x2e: {  	s14 =	smul.u32 $0x8100, s14;
	v3 =	vld [tilespmem:s18+$0x10]  }
0x2f: {  	s30 =	sand.u32 $0x1, s11;
	v2 =	vld [tilespmem:s18+$0xFFFFFFF0]  }
0x30: {  	s15 =	smul.u32 $0x8100, s30;
	s14 =	sshrl.u32 s14, $0x2;
	v0 =	vld [tilespmem:s18+$0x0]  }
0x31: {  	v1 =	vld [tilespmem:s18+$0xFFFFFFE0];
	s16 =	sor.u32 $0x4000, s14  }
0x32: {  	s31 =	sshrl.u32 s15, $0x2;
	s15 =	sadd.s32 $0x0, s16  }
0x33: {  	s17 =	simm.s32 $0x4;
	s18 =	sadd.s32 $0x40, s18;
	s14 =	sor.u32 $0x4000, s31;
	[tilespmem:s15+$0x1830 ss:$0x81] =	vst.msk $0xffff, v3  }
.LBB1_3:
0x34: {  	v3 =	vld [tilespmem:s18+$0x10];
	p1 =	sne.s32 s17, $0x1FC;
	[tilespmem:s15+$0x810 ss:$0x81] =	vst.msk $0xffff, v2;
	s19 =	smov.u32 s17;
	s17 =	sadd.s32 $0x4, s17  }
.Ltmp3:
0x35: {  	v2 =	vld [tilespmem:s18+$0xFFFFFFF0];
	[tilespmem:s15+$0x1020 ss:$0x81] =	vst.msk $0xffff, v0;
	(pc) =	sbr.rel @p1 .LBB1_3-.Ltmp3, $4  }
0x36: {  	v0 =	vld [tilespmem:s18+$0x0];
	[tilespmem:s15+$0x0 ss:$0x81] =	vst.msk $0xffff, v1  }
0x37: {  	s15 =	sshra.s32 s19, $0x2;
	v1 =	vld [tilespmem:s18+$0xFFFFFFE0]  }
0x38: {  	s15 =	sadd.s32 s15, s16  }
0x39: {  	s18 =	sadd.s32 $0x40, s18;
	[tilespmem:s15+$0x1830 ss:$0x81] =	vst.msk $0xffff, v3  }
.Ltmp4:
0x3a: {  	_ = 	snop;
	(pc) =	sbr.rel .LBB1_4-.Ltmp4, $1  }
0x3b: {  	_ =	sdelay $0x3  }
.LBB1_6:
0x3c: {  	_ =	sfence.sel $0x180000  }
0x3d: {  	s2 =	simm.s32 $0x1;
	[bflag:$0x0] =	sbarrier.arrive $0xFFFF  }
0x3e: {  	s31 =	simm.s32 $0x2;
	[sflag:s2] =	ssyncpa.u1 $0x1  }
0x3f: {  	[sflag:s31] =	ssyncpa.u1 $0x1  }
0x40: {  	p0 =	sne.s32 s0, $0x0;
	_ =	strace $0x9000004D  }
0x41: {  	s0 =	sadd.s32 @!p0 $0x100000, s1;
	[bflag:$0x2] =	sbarrier.arrive $0xFFFF  }
0x42: {  	[sflag:s0] =	ssyncadd.tile.s32 @!p0 $0x1;
	_ =	shalt  }
.Lfunc_end1:
_tile_overlayer_lowered:
.L_overlay_start_2:
0x43: {  	(tag) =	ssettag $0x2  }
0x44: {  	s0 =	rddreg [dreg:$0x0];
	s2 =	stileid.u32  }
0x45: {  	s1 =	rddreg [dreg:$0x1];
	p0 =	sne.s32 s2, $0x0  }
0x46: {  	s3 =	rddreg [dreg:$0x2];
	[bflag:$0x3] =	sbarrier.arrive $0xFFFF;
	s2 =	simm.s32 @!p0 $0x1C01  }
0x47: {  	[timem:s3], [sflag:s2] =	dma.local @!p0 [hbm:s0], s1  }
0x48: {  	s0 =	simm.s32 @!p0 $0x1  }
0x49: {  	_ =	swait.ge @!p0 [sflag:s0], s1  }
0x4a: {  	s1 =	ssub.s32 @!p0 $0x0, s1;
	[sflag:s0] =	ssyncset.done @!p0 $0x0  }
0x4b: {  	[sflag:s0] =	ssyncadd.s32 @!p0 s1  }
0x4c: {  	[bflag:$0x3] =	sbarrier.arrive $0xFFFF  }
0x4d: {  	_ =	shalt  }

</sc_bundles>
